<compile_context>
chip_gen: v7x
topology: tpu7x:2x2x1
jax: 0.10.2.dev20260603
libtpu: 0.0.44.dev20260713+nightly
codegen_flags: <defaults>
</compile_context>

<pallas_src>
import jax
import jax.numpy as jnp
from jax.experimental import pallas as pl
from jax.experimental.pallas import tpu as pltpu

_N, _C, _H, _W = 2, 384, 112, 112
_HID = 384
_FC = 8
_CS = 7
_FS = 2
_HQ = _H // _FS
_HW = _HQ * _HQ
_CG = 2 * _HID // _FC
_HALF = _CG // 2
_S = _CS * _CS
_KH = _HQ // _CS
_CNT = _C * _H * _W


def _dot3(a, b, dims):
    f32 = jnp.float32
    bf = jnp.bfloat16
    ah = a.astype(bf)
    al = (a - ah.astype(f32)).astype(bf)
    bh = b.astype(bf)
    bl = (b - bh.astype(f32)).astype(bf)
    return (jax.lax.dot_general(ah, bh, dims, preferred_element_type=f32)
            + jax.lax.dot_general(ah, bl, dims, preferred_element_type=f32)
            + jax.lax.dot_general(al, bh, dims, preferred_element_type=f32))


def _cluster_body(alpha_ref, beta_ref, x_ref, pw_ref, pb_ref, mw_ref, mb_ref,
                  q_ref, merged_ref, s1_ref, s2_ref, nxa_ref):
    bf = jnp.bfloat16
    f32 = jnp.float32
    xqb = x_ref[0, 0, 0].astype(bf)
    q = q_ref[...]
    alpha = alpha_ref[0, 0]
    beta = beta_ref[0, 0]
    ri = jax.lax.broadcasted_iota(jnp.int32, (_S, _S), 0)
    ci = jax.lax.broadcasted_iota(jnp.int32, (_S, _S), 1)
    ltri = jnp.where(ri >= ci, 1.0, 0.0).astype(bf)

    for fci in range(_FC):
        wg = pw_ref[fci * _CG:(fci + 1) * _CG, :]
        bg = pb_ref[fci * _CG:(fci + 1) * _CG, :]
        y = jnp.dot(wg.astype(bf), xqb,
                    preferred_element_type=f32) + bg

        yh = y.astype(bf)
        r1 = y - yh.astype(f32)
        ym = r1.astype(bf)
        yl = (r1 - ym.astype(f32)).astype(bf)
        cen = (jnp.dot(yh, q, preferred_element_type=f32)
               + jnp.dot(ym, q, preferred_element_type=f32)
               + jnp.dot(yl, q, preferred_element_type=f32))

        xp = y[:_HALF, :]
        xv = y[_HALF:, :]
        cp = cen[:_HALF, :]
        cv = cen[_HALF:, :]

        dx = jnp.maximum(jnp.sqrt(jnp.sum(xp * xp, axis=0, keepdims=True)),
                         1e-12)
        nx = xp / dx
        dc = jnp.maximum(jnp.sqrt(jnp.sum(cp * cp, axis=0, keepdims=True)),
                         1e-12)
        nc = cp / dc

        simT = jax.lax.dot_general(nc.astype(bf), nx.astype(bf),
                                   (((0,), (0,)), ((), ())),
                                   preferred_element_type=f32)
        simT = jax.nn.sigmoid(alpha * simT + beta)
        vals = jnp.max(simT, axis=0, keepdims=True)
        ismax = (simT >= vals).astype(f32)
        cum = jnp.dot(ltri, ismax.astype(bf), preferred_element_type=f32)
        w1 = jnp.where(cum == 1.0, ismax, 0.0) * vals

        xve = jnp.concatenate([xv, jnp.ones((1, _HW), f32)], axis=0)
        delta = _dot3(xve, w1, (((1,), (1,)), ((), ())))
        ncf = (cv + delta[:_HALF, :]) / (1.0 + delta[_HALF:, :])
        nxq = _dot3(ncf, w1, (((1,), (0,)), ((), ())))
        nxa_ref[fci * _HALF:(fci + 1) * _HALF, :] = nxq.astype(bf)

    merged = (jnp.dot(mw_ref[...].astype(bf), nxa_ref[...],
                      preferred_element_type=f32) + mb_ref[...])
    merged_ref[0, 0, 0] = merged.astype(bf)
    s1_ref[0, 0, 0] = jnp.sum(merged)
    s2_ref[0, 0, 0] = jnp.sum(merged * merged)


def _flat3(n, h, w):
    return n * 4 + h * 2 + w


def _mlp_body(s1_ref, s2_ref, x_ref, m_ref, n0w_ref, n0b_ref, w0_ref, b0_ref,
              w1_ref, b1_ref, t_ref, p1_ref, p2_ref):
    ni = pl.program_id(0)
    bf = jnp.bfloat16
    f32 = jnp.float32
    tot = 0.0
    totsq = 0.0
    for i in range(2):
        for j in range(2):
            tot = tot + s1_ref[ni * 4 + i * 2 + j, 0, 0]
            totsq = totsq + s2_ref[ni * 4 + i * 2 + j, 0, 0]
    mu = tot / _CNT
    var = totsq / _CNT - mu * mu
    inv = jax.lax.rsqrt(var + 1e-5)

    g = ((m_ref[0, 0, 0].astype(f32) - mu) * inv * n0w_ref[...]
         + n0b_ref[...])
    xt = x_ref[0, 0, 0]
    w0 = w0_ref[...].astype(bf)
    h1 = (jnp.dot(w0[:, :_C], xt.astype(bf), preferred_element_type=f32)
          + jnp.dot(w0[:, _C:], g.astype(bf), preferred_element_type=f32)
          + b0_ref[...])
    h1 = 0.5 * h1 * (1.0 + jax.lax.erf(h1 * 0.7071067811865476))
    t = (jnp.dot(w1_ref[...].astype(bf), h1.astype(bf),
                 preferred_element_type=f32) + b1_ref[...])
    t_ref[0, 0, 0] = t.astype(bf)
    p1_ref[0, 0, 0] = jnp.sum(t)
    p2_ref[0, 0, 0] = jnp.sum(t * t)


def _final_body(p1_ref, p2_ref, n1w_ref, n1b_ref, t_ref, x_ref, o_ref):
    ni = pl.program_id(0)
    tot = 0.0
    totsq = 0.0
    for i in range(2):
        for j in range(2):
            tot = tot + p1_ref[ni * 4 + i * 2 + j, 0, 0]
            totsq = totsq + p2_ref[ni * 4 + i * 2 + j, 0, 0]
    mu = tot / _CNT
    var = totsq / _CNT - mu * mu
    inv = jax.lax.rsqrt(var + 1e-5)
    o_ref[0, 0, 0] = ((t_ref[0, 0, 0].astype(jnp.float32) - mu) * inv
                      * n1w_ref[...] + n1b_ref[...] + x_ref[0, 0, 0])


def kernel(x, proj_w, proj_b, merge_w, merge_b, alpha, beta, norm0_w, norm0_b,
           lin0_w, lin0_b, lin1_w, lin1_b, norm1_w, norm1_b):
    f32 = jnp.float32
    bf = jnp.bfloat16
    x_q = (x.reshape(_N, _C, _FS, _HQ, _FS, _HQ)
           .transpose(0, 2, 4, 1, 3, 5).reshape(_N, _FS, _FS, _C, _HW))
    pb2 = proj_b.reshape(2 * _HID, 1)
    mb2 = merge_b.reshape(_C, 1)
    a2 = alpha.reshape(1, 1)
    b2 = beta.reshape(1, 1)
    li = jnp.arange(_HW, dtype=jnp.int32)[:, None]
    ji = jnp.arange(_S, dtype=jnp.int32)[None, :]
    hi = li // _HQ
    wi = li - hi * _HQ
    q_pool = jnp.where((hi // _KH) * _CS + (wi // _KH) == ji,
                       1.0 / (_KH * _KH), 0.0).astype(bf)

    smem = pl.BlockSpec(memory_space=pltpu.SMEM)
    merged, s1, s2 = pl.pallas_call(
        _cluster_body,
        grid=(_N, _FS, _FS),
        in_specs=[
            smem, smem,
            pl.BlockSpec((1, 1, 1, _C, _HW), lambda n, h, w: (n, h, w, 0, 0)),
            pl.BlockSpec((2 * _HID, _C), lambda n, h, w: (0, 0)),
            pl.BlockSpec((2 * _HID, 1), lambda n, h, w: (0, 0)),
            pl.BlockSpec((_C, _C), lambda n, h, w: (0, 0)),
            pl.BlockSpec((_C, 1), lambda n, h, w: (0, 0)),
            pl.BlockSpec((_HW, _S), lambda n, h, w: (0, 0)),
        ],
        out_specs=[
            pl.BlockSpec((1, 1, 1, _C, _HW), lambda n, h, w: (n, h, w, 0, 0)),
            pl.BlockSpec((1, 1, 1), lambda n, h, w: (_flat3(n, h, w), 0, 0),
                         memory_space=pltpu.SMEM),
            pl.BlockSpec((1, 1, 1), lambda n, h, w: (_flat3(n, h, w), 0, 0),
                         memory_space=pltpu.SMEM),
        ],
        out_shape=[
            jax.ShapeDtypeStruct((_N, _FS, _FS, _C, _HW), bf),
            jax.ShapeDtypeStruct((_N * _FS * _FS, 1, 1), f32),
            jax.ShapeDtypeStruct((_N * _FS * _FS, 1, 1), f32),
        ],
        scratch_shapes=[pltpu.VMEM((_C, _HW), bf)],
        compiler_params=pltpu.CompilerParams(
            dimension_semantics=("parallel", "parallel", "parallel")),
    )(a2, b2, x_q, proj_w, pb2, merge_w, mb2, q_pool)

    t_all, p1, p2 = pl.pallas_call(
        _mlp_body,
        grid=(_N, _FS, _FS),
        in_specs=[
            smem, smem,
            pl.BlockSpec((1, 1, 1, _C, _HW), lambda n, h, w: (n, h, w, 0, 0)),
            pl.BlockSpec((1, 1, 1, _C, _HW), lambda n, h, w: (n, h, w, 0, 0)),
            pl.BlockSpec((_C, 1), lambda n, h, w: (0, 0)),
            pl.BlockSpec((_C, 1), lambda n, h, w: (0, 0)),
            pl.BlockSpec((2 * _C, 2 * _C), lambda n, h, w: (0, 0)),
            pl.BlockSpec((2 * _C, 1), lambda n, h, w: (0, 0)),
            pl.BlockSpec((_C, 2 * _C), lambda n, h, w: (0, 0)),
            pl.BlockSpec((_C, 1), lambda n, h, w: (0, 0)),
        ],
        out_specs=[
            pl.BlockSpec((1, 1, 1, _C, _HW), lambda n, h, w: (n, h, w, 0, 0)),
            pl.BlockSpec((1, 1, 1), lambda n, h, w: (_flat3(n, h, w), 0, 0),
                         memory_space=pltpu.SMEM),
            pl.BlockSpec((1, 1, 1), lambda n, h, w: (_flat3(n, h, w), 0, 0),
                         memory_space=pltpu.SMEM),
        ],
        out_shape=[
            jax.ShapeDtypeStruct((_N, _FS, _FS, _C, _HW), bf),
            jax.ShapeDtypeStruct((_N * _FS * _FS, 1, 1), f32),
            jax.ShapeDtypeStruct((_N * _FS * _FS, 1, 1), f32),
        ],
        compiler_params=pltpu.CompilerParams(
            dimension_semantics=("parallel", "parallel", "parallel")),
    )(s1, s2, x_q, merged, norm0_w.reshape(_C, 1), norm0_b.reshape(_C, 1),
      lin0_w, lin0_b.reshape(2 * _C, 1), lin1_w, lin1_b.reshape(_C, 1))

    out_q = pl.pallas_call(
        _final_body,
        grid=(_N, _FS, _FS),
        in_specs=[
            smem, smem,
            pl.BlockSpec((_C, 1), lambda n, h, w: (0, 0)),
            pl.BlockSpec((_C, 1), lambda n, h, w: (0, 0)),
            pl.BlockSpec((1, 1, 1, _C, _HW), lambda n, h, w: (n, h, w, 0, 0)),
            pl.BlockSpec((1, 1, 1, _C, _HW), lambda n, h, w: (n, h, w, 0, 0)),
        ],
        out_specs=pl.BlockSpec((1, 1, 1, _C, _HW),
                               lambda n, h, w: (n, h, w, 0, 0)),
        out_shape=jax.ShapeDtypeStruct((_N, _FS, _FS, _C, _HW), f32),
        compiler_params=pltpu.CompilerParams(
            dimension_semantics=("parallel", "parallel", "parallel")),
    )(p1, p2, norm1_w.reshape(_C, 1), norm1_b.reshape(_C, 1), t_all, x_q)

    return (out_q.reshape(_N, _FS, _FS, _C, _HQ, _HQ)
            .transpose(0, 3, 1, 4, 2, 5).reshape(_N, _C, _H, _W))

# --- scband reference (transcript-rebuilt; emitter-appended) ---
"""Pipeline reference for scband-local-cluster-block-14740327760105 (READ-ONLY COPY).

The authoritative reference and input builder live on the scoring server;
editing this copy changes nothing except your own understanding.
"""

import jax, jax.numpy as jnp
import numpy as np

N, C, H, W = 2, 384, 112, 112
HID = 384
FC = 8
CS = 7
FS = 2


def setup_inputs(seed: int = 0) -> dict:
    key = jax.random.key(seed)
    ks = jax.random.split(key, 8)
    inp = {}
    inp["x"] = jax.random.normal(ks[0], (N, C, H, W), dtype=jnp.float32)
    inp["proj_w"] = jax.random.normal(ks[1], (2 * HID, C), dtype=jnp.float32) * 0.02
    inp["proj_b"] = jnp.zeros((2 * HID,), jnp.float32)
    inp["merge_w"] = jax.random.normal(ks[2], (C, HID), dtype=jnp.float32) * 0.02
    inp["merge_b"] = jnp.zeros((C,), jnp.float32)
    inp["alpha"] = jnp.ones((1,), jnp.float32)
    inp["beta"] = jnp.zeros((1,), jnp.float32)
    inp["norm0_w"] = jnp.ones((C,), jnp.float32)
    inp["norm0_b"] = jnp.zeros((C,), jnp.float32)
    inp["lin0_w"] = jax.random.normal(ks[3], (2 * C, 2 * C), dtype=jnp.float32) * 0.02
    inp["lin0_b"] = jnp.zeros((2 * C,), jnp.float32)
    inp["lin1_w"] = jax.random.normal(ks[4], (C, 2 * C), dtype=jnp.float32) * 0.02
    inp["lin1_b"] = jnp.zeros((C,), jnp.float32)
    inp["norm1_w"] = jnp.ones((C,), jnp.float32)
    inp["norm1_b"] = jnp.zeros((C,), jnp.float32)
    return inp


def _group_norm(x, w, b, eps=1e-5):
    mu = x.mean(axis=(1, 2, 3), keepdims=True)
    var = x.var(axis=(1, 2, 3), keepdims=True)
    xn = (x - mu) / jnp.sqrt(var + eps)
    return xn * w[None, :, None, None] + b[None, :, None, None]


def _conv1x1(x, w, b):
    return jnp.einsum('nchw,oc->nohw', x, w) + b[None, :, None, None]


def reference(x, proj_w, proj_b, merge_w, merge_b, alpha, beta, norm0_w, norm0_b, lin0_w, lin0_b, lin1_w, lin1_b, norm1_w, norm1_b):
    n = x.shape[0]
    fc, fh, fw = FC, FS, FS
    s = CS * CS
    m = n * fc * fh * fw
    h = H // fh
    w = W // fw
    c = (2 * HID) // fc
    half = c // 2
    # LocalCluster
    y = _conv1x1(x, proj_w, proj_b)
    y = y.reshape(n, fc, c, fh, h, fw, w).transpose(0, 1, 3, 5, 2, 4, 6).reshape(m, c, h, w)
    kh = h // CS
    kw = w // CS
    center = y.reshape(m, c, CS, kh, CS, kw).mean(axis=(3, 5))
    yf = y.reshape(m, c, h * w).transpose(0, 2, 1)
    cf = center.reshape(m, c, s).transpose(0, 2, 1)
    x_point, x_value = yf[..., :half], yf[..., half:]
    c_point, c_value = cf[..., :half], cf[..., half:]
    nx = x_point / jnp.maximum(jnp.linalg.norm(x_point, axis=2, keepdims=True), 1e-12)
    nc = c_point / jnp.maximum(jnp.linalg.norm(c_point, axis=2, keepdims=True), 1e-12)
    sim = jnp.einsum('nlc,nsc->nls', nx, nc)
    sim = jax.nn.sigmoid(alpha * sim + beta)
    vals = sim.max(axis=2)
    idx = jnp.argmax(sim, axis=2) + s * jnp.arange(m)[:, None]
    vals = vals.reshape(-1)
    idx = idx.reshape(-1)
    xv = x_value.reshape(-1, half)
    cv = c_value.reshape(-1, half)
    cv = jnp.concatenate([cv, jnp.ones((cv.shape[0], 1), cv.dtype)], axis=1)
    xv = jnp.concatenate([xv, jnp.ones((xv.shape[0], 1), xv.dtype)], axis=1)
    new_center = cv.at[idx].add(vals[:, None] * xv)
    new_center = new_center[:, :-1] / new_center[:, -1:]
    new_x = vals[:, None] * new_center[idx]
    new_x = new_x.reshape(n, fc, fh, fw, h, w, half).transpose(0, 1, 6, 2, 4, 3, 5).reshape(n, fc * half, fh * h, fw * w)
    new_x = _conv1x1(new_x, merge_w, merge_b)
    # Block
    new_x = _group_norm(new_x, norm0_w, norm0_b)
    cat = jnp.concatenate([x, new_x], axis=1)
    t = cat.transpose(0, 2, 3, 1)
    t = jax.nn.gelu(t @ lin0_w.T + lin0_b, approximate=False)
    t = t @ lin1_w.T + lin1_b
    t = t.transpose(0, 3, 1, 2)
    out = _group_norm(t, norm1_w, norm1_b) + x
    return out

if __name__ == "__main__":
    import jax
    _d = setup_inputs()
    print(jax.jit(kernel)(*tuple(_d.values())))

</pallas_src>

<mosaic_0001>
module attributes {stable_mosaic.version = 14 : i64} {
  func.func @_cluster_body(%arg0: i32, %arg1: i32, %arg2: i32, %arg3: memref<1x1xf32, #tpu.memory_space<smem>>, %arg4: memref<1x1xf32, #tpu.memory_space<smem>>, %arg5: memref<1x1x1x384x3136xf32, #tpu.memory_space<vmem>>, %arg6: memref<768x384xf32, #tpu.memory_space<vmem>>, %arg7: memref<768x1xf32, #tpu.memory_space<vmem>>, %arg8: memref<384x384xf32, #tpu.memory_space<vmem>>, %arg9: memref<384x1xf32, #tpu.memory_space<vmem>>, %arg10: memref<3136x49xbf16, #tpu.memory_space<vmem>>, %arg11: memref<1x1x1x384x3136xbf16, #tpu.memory_space<vmem>>, %arg12: memref<1x1x1xf32, #tpu.memory_space<smem>>, %arg13: memref<1x1x1xf32, #tpu.memory_space<smem>>, %arg14: memref<384x3136xbf16, #tpu.memory_space<vmem>>) attributes {dimension_semantics = [#tpu.dimension_semantics<parallel>, #tpu.dimension_semantics<parallel>, #tpu.dimension_semantics<parallel>], iteration_bounds = array<i64: 2, 2, 2>, scalar_prefetch = 0 : i64, scratch_operands = 1 : i64, tpu.core_type = #tpu.core_type<tc>, window_params = [{transform_indices = @transform_0, window_bounds = array<i64: 1, 1>}, {transform_indices = @transform_1, window_bounds = array<i64: 1, 1>}, {transform_indices = @transform_2, window_bounds = array<i64: 1, 1, 1, 384, 3136>}, {pipeline_mode = #tpu.pipeline_mode<synchronous>, transform_indices = @transform_3, window_bounds = array<i64: 768, 384>}, {pipeline_mode = #tpu.pipeline_mode<synchronous>, transform_indices = @transform_4, window_bounds = array<i64: 768, 1>}, {pipeline_mode = #tpu.pipeline_mode<synchronous>, transform_indices = @transform_5, window_bounds = array<i64: 384, 384>}, {pipeline_mode = #tpu.pipeline_mode<synchronous>, transform_indices = @transform_6, window_bounds = array<i64: 384, 1>}, {pipeline_mode = #tpu.pipeline_mode<synchronous>, transform_indices = @transform_7, window_bounds = array<i64: 3136, 49>}, {transform_indices = @transform_8, window_bounds = array<i64: 1, 1, 1, 384, 3136>}, {transform_indices = @transform_9, window_bounds = array<i64: 1, 1, 1>}, {transform_indices = @transform_10, window_bounds = array<i64: 1, 1, 1>}]} {
    %get3A = arith.constant 0 : index
    %get3A_0 = arith.constant 0 : index
    %get3A_1 = arith.constant 0 : index
    %get3A_2 = arith.constant 0 : index
    %get3A_3 = arith.constant 0 : index
    %get3A_4 = vector.load %arg5[%get3A, %get3A_0, %get3A_1, %get3A_2, %get3A_3] : memref<1x1x1x384x3136xf32, #tpu.memory_space<vmem>>, vector<1x1x1x384x3136xf32>
    %get3A_5 = vector.shape_cast %get3A_4 : vector<1x1x1x384x3136xf32> to vector<384x3136xf32>
    %convert_element_type3A = arith.truncf %get3A_5 : vector<384x3136xf32> to vector<384x3136xbf16>
    %get3A_6 = arith.constant 0 : index
    %get3A_7 = arith.constant 0 : index
    %get3A_8 = vector.load %arg10[%get3A_6, %get3A_7] : memref<3136x49xbf16, #tpu.memory_space<vmem>>, vector<3136x49xbf16>
    %get3A_9 = arith.constant 0 : index
    %get3A_10 = arith.constant 0 : index
    %get3A_11 = memref.load %arg3[%get3A_9, %get3A_10] : memref<1x1xf32, #tpu.memory_space<smem>>
    %get3A_12 = arith.constant 0 : index
    %get3A_13 = arith.constant 0 : index
    %get3A_14 = memref.load %arg4[%get3A_12, %get3A_13] : memref<1x1xf32, #tpu.memory_space<smem>>
    %iota3A = tpu.iota {dimensions = array<i32: 0>} : vector<49x49xi32>
    %iota3A_15 = tpu.iota {dimensions = array<i32: 1>} : vector<49x49xi32>
    %ge3A = arith.cmpi sge, %iota3A, %iota3A_15 : vector<49x49xi32>
    %jit3A = arith.constant 1.000000e+00 : f32
    %jit3A_16 = arith.constant 0.000000e+00 : f32
    %broadcast_in_dim3A = vector.broadcast %jit3A : f32 to vector<49x49xf32>
    %broadcast_in_dim3A_17 = vector.broadcast %jit3A_16 : f32 to vector<49x49xf32>
    %select_n3A = arith.select %ge3A, %broadcast_in_dim3A, %broadcast_in_dim3A_17 : vector<49x49xi1>, vector<49x49xf32>
    %convert_element_type3A_18 = arith.truncf %select_n3A : vector<49x49xf32> to vector<49x49xbf16>
    %get3A_19 = arith.constant 0 : index
    %get3A_20 = arith.constant 0 : index
    %get3A_21 = vector.load %arg6[%get3A_19, %get3A_20] : memref<768x384xf32, #tpu.memory_space<vmem>>, vector<96x384xf32>
    %get3A_22 = arith.constant 0 : index
    %get3A_23 = arith.constant 0 : index
    %get3A_24 = vector.load %arg7[%get3A_22, %get3A_23] : memref<768x1xf32, #tpu.memory_space<vmem>>, vector<96x1xf32>
    %convert_element_type3A_25 = arith.truncf %get3A_21 : vector<96x384xf32> to vector<96x384xbf16>
    %dot_general3A = arith.constant dense<0.000000e+00> : vector<96x3136xf32>
    %dot_general3A_26 = tpu.matmul %convert_element_type3A_25, %convert_element_type3A, %dot_general3A {dimension_numbers = #tpu.dot_dimension_numbers<[1], [0], [0], [1], [0, 0, 1, 1], [], []>, transpose_lhs_hint = false} : vector<96x384xbf16>, vector<384x3136xbf16>, vector<96x3136xf32> -> vector<96x3136xf32>
    %add3A = vector.broadcast %get3A_24 : vector<96x1xf32> to vector<96x3136xf32>
    %add3A_27 = arith.addf %dot_general3A_26, %add3A : vector<96x3136xf32>
    %convert_element_type3A_28 = arith.truncf %add3A_27 : vector<96x3136xf32> to vector<96x3136xbf16>
    %convert_element_type3A_29 = arith.extf %convert_element_type3A_28 : vector<96x3136xbf16> to vector<96x3136xf32>
    %sub3A = arith.subf %add3A_27, %convert_element_type3A_29 : vector<96x3136xf32>
    %convert_element_type3A_30 = arith.truncf %sub3A : vector<96x3136xf32> to vector<96x3136xbf16>
    %convert_element_type3A_31 = arith.extf %convert_element_type3A_30 : vector<96x3136xbf16> to vector<96x3136xf32>
    %sub3A_32 = arith.subf %sub3A, %convert_element_type3A_31 : vector<96x3136xf32>
    %convert_element_type3A_33 = arith.truncf %sub3A_32 : vector<96x3136xf32> to vector<96x3136xbf16>
    %dot_general3A_34 = arith.constant dense<0.000000e+00> : vector<96x49xf32>
    %dot_general3A_35 = tpu.matmul %convert_element_type3A_28, %get3A_8, %dot_general3A_34 {dimension_numbers = #tpu.dot_dimension_numbers<[1], [0], [0], [1], [0, 0, 1, 1], [], []>, transpose_lhs_hint = false} : vector<96x3136xbf16>, vector<3136x49xbf16>, vector<96x49xf32> -> vector<96x49xf32>
    %dot_general3A_36 = arith.constant dense<0.000000e+00> : vector<96x49xf32>
    %dot_general3A_37 = tpu.matmul %convert_element_type3A_30, %get3A_8, %dot_general3A_36 {dimension_numbers = #tpu.dot_dimension_numbers<[1], [0], [0], [1], [0, 0, 1, 1], [], []>, transpose_lhs_hint = false} : vector<96x3136xbf16>, vector<3136x49xbf16>, vector<96x49xf32> -> vector<96x49xf32>
    %add3A_38 = arith.addf %dot_general3A_35, %dot_general3A_37 : vector<96x49xf32>
    %dot_general3A_39 = arith.constant dense<0.000000e+00> : vector<96x49xf32>
    %dot_general3A_40 = tpu.matmul %convert_element_type3A_33, %get3A_8, %dot_general3A_39 {dimension_numbers = #tpu.dot_dimension_numbers<[1], [0], [0], [1], [0, 0, 1, 1], [], []>, transpose_lhs_hint = false} : vector<96x3136xbf16>, vector<3136x49xbf16>, vector<96x49xf32> -> vector<96x49xf32>
    %add3A_41 = arith.addf %add3A_38, %dot_general3A_40 : vector<96x49xf32>
    %slice3A = vector.extract_strided_slice %add3A_27 {offsets = [0, 0], sizes = [48, 3136], strides = [1, 1]} : vector<96x3136xf32> to vector<48x3136xf32>
    %slice3A_42 = vector.extract_strided_slice %add3A_27 {offsets = [48, 0], sizes = [48, 3136], strides = [1, 1]} : vector<96x3136xf32> to vector<48x3136xf32>
    %slice3A_43 = vector.extract_strided_slice %add3A_41 {offsets = [0, 0], sizes = [48, 49], strides = [1, 1]} : vector<96x49xf32> to vector<48x49xf32>
    %slice3A_44 = vector.extract_strided_slice %add3A_41 {offsets = [48, 0], sizes = [48, 49], strides = [1, 1]} : vector<96x49xf32> to vector<48x49xf32>
    %mul3A = arith.mulf %slice3A, %slice3A : vector<48x3136xf32>
    %reduce_sum3A = arith.constant dense<0.000000e+00> : vector<3136xf32>
    %reduce_sum3A_45 = vector.multi_reduction <add>, %mul3A, %reduce_sum3A [0] : vector<48x3136xf32> to vector<3136xf32>
    %broadcast_in_dim3A_46 = vector.shape_cast %reduce_sum3A_45 : vector<3136xf32> to vector<1x3136xf32>
    %sqrt3A = math.sqrt %broadcast_in_dim3A_46 : vector<1x3136xf32>
    %max3A = arith.constant 9.99999996E-13 : f32
    %max3A_47 = vector.broadcast %max3A : f32 to vector<1x3136xf32>
    %max3A_48 = arith.maximumf %sqrt3A, %max3A_47 : vector<1x3136xf32>
    %div3A = vector.broadcast %max3A_48 : vector<1x3136xf32> to vector<48x3136xf32>
    %div3A_49 = arith.divf %slice3A, %div3A : vector<48x3136xf32>
    %mul3A_50 = arith.mulf %slice3A_43, %slice3A_43 : vector<48x49xf32>
    %reduce_sum3A_51 = arith.constant dense<0.000000e+00> : vector<49xf32>
    %reduce_sum3A_52 = vector.multi_reduction <add>, %mul3A_50, %reduce_sum3A_51 [0] : vector<48x49xf32> to vector<49xf32>
    %broadcast_in_dim3A_53 = vector.shape_cast %reduce_sum3A_52 : vector<49xf32> to vector<1x49xf32>
    %sqrt3A_54 = math.sqrt %broadcast_in_dim3A_53 : vector<1x49xf32>
    %max3A_55 = arith.constant 9.99999996E-13 : f32
    %max3A_56 = vector.broadcast %max3A_55 : f32 to vector<1x49xf32>
    %max3A_57 = arith.maximumf %sqrt3A_54, %max3A_56 : vector<1x49xf32>
    %div3A_58 = vector.broadcast %max3A_57 : vector<1x49xf32> to vector<48x49xf32>
    %div3A_59 = arith.divf %slice3A_43, %div3A_58 : vector<48x49xf32>
    %convert_element_type3A_60 = arith.truncf %div3A_59 : vector<48x49xf32> to vector<48x49xbf16>
    %convert_element_type3A_61 = arith.truncf %div3A_49 : vector<48x3136xf32> to vector<48x3136xbf16>
    %dot_general3A_62 = arith.constant dense<0.000000e+00> : vector<49x3136xf32>
    %dot_general3A_63 = tpu.matmul %convert_element_type3A_60, %convert_element_type3A_61, %dot_general3A_62 {dimension_numbers = #tpu.dot_dimension_numbers<[0], [0], [1], [1], [0, 1, 1, 1], [], []>, transpose_lhs_hint = false} : vector<48x49xbf16>, vector<48x3136xbf16>, vector<49x3136xf32> -> vector<49x3136xf32>
    %mul3A_64 = vector.broadcast %get3A_11 : f32 to vector<49x3136xf32>
    %mul3A_65 = arith.mulf %mul3A_64, %dot_general3A_63 : vector<49x3136xf32>
    %add3A_66 = vector.broadcast %get3A_14 : f32 to vector<49x3136xf32>
    %add3A_67 = arith.addf %mul3A_65, %add3A_66 : vector<49x3136xf32>
    %logistic3A = arith.negf %add3A_67 : vector<49x3136xf32>
    %logistic3A_68 = math.exp %logistic3A : vector<49x3136xf32>
    %logistic3A_69 = arith.constant 1.000000e+00 : f32
    %logistic3A_70 = vector.broadcast %logistic3A_69 : f32 to vector<49x3136xf32>
    %logistic3A_71 = arith.addf %logistic3A_70, %logistic3A_68 : vector<49x3136xf32>
    %logistic3A_72 = arith.divf %logistic3A_70, %logistic3A_71 : vector<49x3136xf32>
    %reduce_max3A = arith.constant dense<0xFF800000> : vector<3136xf32>
    %reduce_max3A_73 = vector.multi_reduction <maximumf>, %logistic3A_72, %reduce_max3A [0] : vector<49x3136xf32> to vector<3136xf32>
    %broadcast_in_dim3A_74 = vector.shape_cast %reduce_max3A_73 : vector<3136xf32> to vector<1x3136xf32>
    %ge3A_75 = vector.broadcast %broadcast_in_dim3A_74 : vector<1x3136xf32> to vector<49x3136xf32>
    %ge3A_76 = arith.cmpf oge, %logistic3A_72, %ge3A_75 : vector<49x3136xf32>
    %convert_element_type3A_77 = arith.extui %ge3A_76 : vector<49x3136xi1> to vector<49x3136xi32>
    %convert_element_type3A_78 = arith.sitofp %convert_element_type3A_77 : vector<49x3136xi32> to vector<49x3136xf32>
    %convert_element_type3A_79 = arith.truncf %convert_element_type3A_78 : vector<49x3136xf32> to vector<49x3136xbf16>
    %dot_general3A_80 = arith.constant dense<0.000000e+00> : vector<49x3136xf32>
    %dot_general3A_81 = tpu.matmul %convert_element_type3A_18, %convert_element_type3A_79, %dot_general3A_80 {dimension_numbers = #tpu.dot_dimension_numbers<[1], [0], [0], [1], [0, 0, 1, 1], [], []>, transpose_lhs_hint = false} : vector<49x49xbf16>, vector<49x3136xbf16>, vector<49x3136xf32> -> vector<49x3136xf32>
    %eq3A = arith.constant 1.000000e+00 : f32
    %eq3A_82 = vector.broadcast %eq3A : f32 to vector<49x3136xf32>
    %eq3A_83 = arith.cmpf oeq, %dot_general3A_81, %eq3A_82 : vector<49x3136xf32>
    %jit3A_84 = arith.constant 0.000000e+00 : f32
    %broadcast_in_dim3A_85 = vector.broadcast %jit3A_84 : f32 to vector<49x3136xf32>
    %select_n3A_86 = arith.select %eq3A_83, %convert_element_type3A_78, %broadcast_in_dim3A_85 : vector<49x3136xi1>, vector<49x3136xf32>
    %mul3A_87 = vector.broadcast %broadcast_in_dim3A_74 : vector<1x3136xf32> to vector<49x3136xf32>
    %mul3A_88 = arith.mulf %select_n3A_86, %mul3A_87 : vector<49x3136xf32>
    %broadcast_in_dim3A_89 = arith.constant 1.000000e+00 : f32
    %broadcast_in_dim3A_90 = vector.broadcast %broadcast_in_dim3A_89 : f32 to vector<1x3136xf32>
    %concatenate3A = tpu.concatenate %slice3A_42, %broadcast_in_dim3A_90 in 0 : vector<48x3136xf32>, vector<1x3136xf32> -> vector<49x3136xf32>
    %convert_element_type3A_91 = arith.truncf %concatenate3A : vector<49x3136xf32> to vector<49x3136xbf16>
    %convert_element_type3A_92 = arith.extf %convert_element_type3A_91 : vector<49x3136xbf16> to vector<49x3136xf32>
    %sub3A_93 = arith.subf %concatenate3A, %convert_element_type3A_92 : vector<49x3136xf32>
    %convert_element_type3A_94 = arith.truncf %sub3A_93 : vector<49x3136xf32> to vector<49x3136xbf16>
    %convert_element_type3A_95 = arith.truncf %mul3A_88 : vector<49x3136xf32> to vector<49x3136xbf16>
    %convert_element_type3A_96 = arith.extf %convert_element_type3A_95 : vector<49x3136xbf16> to vector<49x3136xf32>
    %sub3A_97 = arith.subf %mul3A_88, %convert_element_type3A_96 : vector<49x3136xf32>
    %convert_element_type3A_98 = arith.truncf %sub3A_97 : vector<49x3136xf32> to vector<49x3136xbf16>
    %dot_general3A_99 = arith.constant dense<0.000000e+00> : vector<49x49xf32>
    %dot_general3A_100 = tpu.matmul %convert_element_type3A_91, %convert_element_type3A_95, %dot_general3A_99 {dimension_numbers = #tpu.dot_dimension_numbers<[1], [1], [0], [0], [0, 0, 1, 0], [], []>, transpose_lhs_hint = false} : vector<49x3136xbf16>, vector<49x3136xbf16>, vector<49x49xf32> -> vector<49x49xf32>
    %dot_general3A_101 = arith.constant dense<0.000000e+00> : vector<49x49xf32>
    %dot_general3A_102 = tpu.matmul %convert_element_type3A_91, %convert_element_type3A_98, %dot_general3A_101 {dimension_numbers = #tpu.dot_dimension_numbers<[1], [1], [0], [0], [0, 0, 1, 0], [], []>, transpose_lhs_hint = false} : vector<49x3136xbf16>, vector<49x3136xbf16>, vector<49x49xf32> -> vector<49x49xf32>
    %add3A_103 = arith.addf %dot_general3A_100, %dot_general3A_102 : vector<49x49xf32>
    %dot_general3A_104 = arith.constant dense<0.000000e+00> : vector<49x49xf32>
    %dot_general3A_105 = tpu.matmul %convert_element_type3A_94, %convert_element_type3A_95, %dot_general3A_104 {dimension_numbers = #tpu.dot_dimension_numbers<[1], [1], [0], [0], [0, 0, 1, 0], [], []>, transpose_lhs_hint = false} : vector<49x3136xbf16>, vector<49x3136xbf16>, vector<49x49xf32> -> vector<49x49xf32>
    %add3A_106 = arith.addf %add3A_103, %dot_general3A_105 : vector<49x49xf32>
    %slice3A_107 = vector.extract_strided_slice %add3A_106 {offsets = [0, 0], sizes = [48, 49], strides = [1, 1]} : vector<49x49xf32> to vector<48x49xf32>
    %add3A_108 = arith.addf %slice3A_44, %slice3A_107 : vector<48x49xf32>
    %slice3A_109 = vector.extract_strided_slice %add3A_106 {offsets = [48, 0], sizes = [1, 49], strides = [1, 1]} : vector<49x49xf32> to vector<1x49xf32>
    %add3A_110 = arith.constant 1.000000e+00 : f32
    %add3A_111 = vector.broadcast %add3A_110 : f32 to vector<1x49xf32>
    %add3A_112 = arith.addf %add3A_111, %slice3A_109 : vector<1x49xf32>
    %div3A_113 = vector.broadcast %add3A_112 : vector<1x49xf32> to vector<48x49xf32>
    %div3A_114 = arith.divf %add3A_108, %div3A_113 : vector<48x49xf32>
    %convert_element_type3A_115 = arith.truncf %div3A_114 : vector<48x49xf32> to vector<48x49xbf16>
    %convert_element_type3A_116 = arith.extf %convert_element_type3A_115 : vector<48x49xbf16> to vector<48x49xf32>
    %sub3A_117 = arith.subf %div3A_114, %convert_element_type3A_116 : vector<48x49xf32>
    %convert_element_type3A_118 = arith.truncf %sub3A_117 : vector<48x49xf32> to vector<48x49xbf16>
    %convert_element_type3A_119 = arith.truncf %mul3A_88 : vector<49x3136xf32> to vector<49x3136xbf16>
    %convert_element_type3A_120 = arith.extf %convert_element_type3A_119 : vector<49x3136xbf16> to vector<49x3136xf32>
    %sub3A_121 = arith.subf %mul3A_88, %convert_element_type3A_120 : vector<49x3136xf32>
    %convert_element_type3A_122 = arith.truncf %sub3A_121 : vector<49x3136xf32> to vector<49x3136xbf16>
    %dot_general3A_123 = arith.constant dense<0.000000e+00> : vector<48x3136xf32>
    %dot_general3A_124 = tpu.matmul %convert_element_type3A_115, %convert_element_type3A_119, %dot_general3A_123 {dimension_numbers = #tpu.dot_dimension_numbers<[1], [0], [0], [1], [0, 0, 1, 1], [], []>, transpose_lhs_hint = false} : vector<48x49xbf16>, vector<49x3136xbf16>, vector<48x3136xf32> -> vector<48x3136xf32>
    %dot_general3A_125 = arith.constant dense<0.000000e+00> : vector<48x3136xf32>
    %dot_general3A_126 = tpu.matmul %convert_element_type3A_115, %convert_element_type3A_122, %dot_general3A_125 {dimension_numbers = #tpu.dot_dimension_numbers<[1], [0], [0], [1], [0, 0, 1, 1], [], []>, transpose_lhs_hint = false} : vector<48x49xbf16>, vector<49x3136xbf16>, vector<48x3136xf32> -> vector<48x3136xf32>
    %add3A_127 = arith.addf %dot_general3A_124, %dot_general3A_126 : vector<48x3136xf32>
    %dot_general3A_128 = arith.constant dense<0.000000e+00> : vector<48x3136xf32>
    %dot_general3A_129 = tpu.matmul %convert_element_type3A_118, %convert_element_type3A_119, %dot_general3A_128 {dimension_numbers = #tpu.dot_dimension_numbers<[1], [0], [0], [1], [0, 0, 1, 1], [], []>, transpose_lhs_hint = false} : vector<48x49xbf16>, vector<49x3136xbf16>, vector<48x3136xf32> -> vector<48x3136xf32>
    %add3A_130 = arith.addf %add3A_127, %dot_general3A_129 : vector<48x3136xf32>
    %convert_element_type3A_131 = arith.truncf %add3A_130 : vector<48x3136xf32> to vector<48x3136xbf16>
    %swap3A = arith.constant 0 : index
    %swap3A_132 = arith.constant 0 : index
    %swap3A_133 = vector.load %arg14[%swap3A, %swap3A_132] : memref<384x3136xbf16, #tpu.memory_space<vmem>>, vector<48x3136xbf16>
    tpu.vector_store %arg14[%swap3A, %swap3A_132], %convert_element_type3A_131 {strides = array<i32>} : memref<384x3136xbf16, #tpu.memory_space<vmem>>, vector<48x3136xbf16>,
    %get3A_134 = arith.constant 96 : index
    %get3A_135 = arith.constant 0 : index
    %get3A_136 = vector.load %arg6[%get3A_134, %get3A_135] : memref<768x384xf32, #tpu.memory_space<vmem>>, vector<96x384xf32>
    %get3A_137 = arith.constant 96 : index
    %get3A_138 = arith.constant 0 : index
    %get3A_139 = vector.load %arg7[%get3A_137, %get3A_138] : memref<768x1xf32, #tpu.memory_space<vmem>>, vector<96x1xf32>
    %convert_element_type3A_140 = arith.truncf %get3A_136 : vector<96x384xf32> to vector<96x384xbf16>
    %dot_general3A_141 = arith.constant dense<0.000000e+00> : vector<96x3136xf32>
    %dot_general3A_142 = tpu.matmul %convert_element_type3A_140, %convert_element_type3A, %dot_general3A_141 {dimension_numbers = #tpu.dot_dimension_numbers<[1], [0], [0], [1], [0, 0, 1, 1], [], []>, transpose_lhs_hint = false} : vector<96x384xbf16>, vector<384x3136xbf16>, vector<96x3136xf32> -> vector<96x3136xf32>
    %add3A_143 = vector.broadcast %get3A_139 : vector<96x1xf32> to vector<96x3136xf32>
    %add3A_144 = arith.addf %dot_general3A_142, %add3A_143 : vector<96x3136xf32>
    %convert_element_type3A_145 = arith.truncf %add3A_144 : vector<96x3136xf32> to vector<96x3136xbf16>
    %convert_element_type3A_146 = arith.extf %convert_element_type3A_145 : vector<96x3136xbf16> to vector<96x3136xf32>
    %sub3A_147 = arith.subf %add3A_144, %convert_element_type3A_146 : vector<96x3136xf32>
    %convert_element_type3A_148 = arith.truncf %sub3A_147 : vector<96x3136xf32> to vector<96x3136xbf16>
    %convert_element_type3A_149 = arith.extf %convert_element_type3A_148 : vector<96x3136xbf16> to vector<96x3136xf32>
    %sub3A_150 = arith.subf %sub3A_147, %convert_element_type3A_149 : vector<96x3136xf32>
    %convert_element_type3A_151 = arith.truncf %sub3A_150 : vector<96x3136xf32> to vector<96x3136xbf16>
    %dot_general3A_152 = arith.constant dense<0.000000e+00> : vector<96x49xf32>
    %dot_general3A_153 = tpu.matmul %convert_element_type3A_145, %get3A_8, %dot_general3A_152 {dimension_numbers = #tpu.dot_dimension_numbers<[1], [0], [0], [1], [0, 0, 1, 1], [], []>, transpose_lhs_hint = false} : vector<96x3136xbf16>, vector<3136x49xbf16>, vector<96x49xf32> -> vector<96x49xf32>
    %dot_general3A_154 = arith.constant dense<0.000000e+00> : vector<96x49xf32>
    %dot_general3A_155 = tpu.matmul %convert_element_type3A_148, %get3A_8, %dot_general3A_154 {dimension_numbers = #tpu.dot_dimension_numbers<[1], [0], [0], [1], [0, 0, 1, 1], [], []>, transpose_lhs_hint = false} : vector<96x3136xbf16>, vector<3136x49xbf16>, vector<96x49xf32> -> vector<96x49xf32>
    %add3A_156 = arith.addf %dot_general3A_153, %dot_general3A_155 : vector<96x49xf32>
    %dot_general3A_157 = arith.constant dense<0.000000e+00> : vector<96x49xf32>
    %dot_general3A_158 = tpu.matmul %convert_element_type3A_151, %get3A_8, %dot_general3A_157 {dimension_numbers = #tpu.dot_dimension_numbers<[1], [0], [0], [1], [0, 0, 1, 1], [], []>, transpose_lhs_hint = false} : vector<96x3136xbf16>, vector<3136x49xbf16>, vector<96x49xf32> -> vector<96x49xf32>
    %add3A_159 = arith.addf %add3A_156, %dot_general3A_158 : vector<96x49xf32>
    %slice3A_160 = vector.extract_strided_slice %add3A_144 {offsets = [0, 0], sizes = [48, 3136], strides = [1, 1]} : vector<96x3136xf32> to vector<48x3136xf32>
    %slice3A_161 = vector.extract_strided_slice %add3A_144 {offsets = [48, 0], sizes = [48, 3136], strides = [1, 1]} : vector<96x3136xf32> to vector<48x3136xf32>
    %slice3A_162 = vector.extract_strided_slice %add3A_159 {offsets = [0, 0], sizes = [48, 49], strides = [1, 1]} : vector<96x49xf32> to vector<48x49xf32>
    %slice3A_163 = vector.extract_strided_slice %add3A_159 {offsets = [48, 0], sizes = [48, 49], strides = [1, 1]} : vector<96x49xf32> to vector<48x49xf32>
    %mul3A_164 = arith.mulf %slice3A_160, %slice3A_160 : vector<48x3136xf32>
    %reduce_sum3A_165 = arith.constant dense<0.000000e+00> : vector<3136xf32>
    %reduce_sum3A_166 = vector.multi_reduction <add>, %mul3A_164, %reduce_sum3A_165 [0] : vector<48x3136xf32> to vector<3136xf32>
    %broadcast_in_dim3A_167 = vector.shape_cast %reduce_sum3A_166 : vector<3136xf32> to vector<1x3136xf32>
    %sqrt3A_168 = math.sqrt %broadcast_in_dim3A_167 : vector<1x3136xf32>
    %max3A_169 = arith.constant 9.99999996E-13 : f32
    %max3A_170 = vector.broadcast %max3A_169 : f32 to vector<1x3136xf32>
    %max3A_171 = arith.maximumf %sqrt3A_168, %max3A_170 : vector<1x3136xf32>
    %div3A_172 = vector.broadcast %max3A_171 : vector<1x3136xf32> to vector<48x3136xf32>
    %div3A_173 = arith.divf %slice3A_160, %div3A_172 : vector<48x3136xf32>
    %mul3A_174 = arith.mulf %slice3A_162, %slice3A_162 : vector<48x49xf32>
    %reduce_sum3A_175 = arith.constant dense<0.000000e+00> : vector<49xf32>
    %reduce_sum3A_176 = vector.multi_reduction <add>, %mul3A_174, %reduce_sum3A_175 [0] : vector<48x49xf32> to vector<49xf32>
    %broadcast_in_dim3A_177 = vector.shape_cast %reduce_sum3A_176 : vector<49xf32> to vector<1x49xf32>
    %sqrt3A_178 = math.sqrt %broadcast_in_dim3A_177 : vector<1x49xf32>
    %max3A_179 = arith.constant 9.99999996E-13 : f32
    %max3A_180 = vector.broadcast %max3A_179 : f32 to vector<1x49xf32>
    %max3A_181 = arith.maximumf %sqrt3A_178, %max3A_180 : vector<1x49xf32>
    %div3A_182 = vector.broadcast %max3A_181 : vector<1x49xf32> to vector<48x49xf32>
    %div3A_183 = arith.divf %slice3A_162, %div3A_182 : vector<48x49xf32>
    %convert_element_type3A_184 = arith.truncf %div3A_183 : vector<48x49xf32> to vector<48x49xbf16>
    %convert_element_type3A_185 = arith.truncf %div3A_173 : vector<48x3136xf32> to vector<48x3136xbf16>
    %dot_general3A_186 = arith.constant dense<0.000000e+00> : vector<49x3136xf32>
    %dot_general3A_187 = tpu.matmul %convert_element_type3A_184, %convert_element_type3A_185, %dot_general3A_186 {dimension_numbers = #tpu.dot_dimension_numbers<[0], [0], [1], [1], [0, 1, 1, 1], [], []>, transpose_lhs_hint = false} : vector<48x49xbf16>, vector<48x3136xbf16>, vector<49x3136xf32> -> vector<49x3136xf32>
    %mul3A_188 = vector.broadcast %get3A_11 : f32 to vector<49x3136xf32>
    %mul3A_189 = arith.mulf %mul3A_188, %dot_general3A_187 : vector<49x3136xf32>
    %add3A_190 = vector.broadcast %get3A_14 : f32 to vector<49x3136xf32>
    %add3A_191 = arith.addf %mul3A_189, %add3A_190 : vector<49x3136xf32>
    %logistic3A_192 = arith.negf %add3A_191 : vector<49x3136xf32>
    %logistic3A_193 = math.exp %logistic3A_192 : vector<49x3136xf32>
    %logistic3A_194 = arith.constant 1.000000e+00 : f32
    %logistic3A_195 = vector.broadcast %logistic3A_194 : f32 to vector<49x3136xf32>
    %logistic3A_196 = arith.addf %logistic3A_195, %logistic3A_193 : vector<49x3136xf32>
    %logistic3A_197 = arith.divf %logistic3A_195, %logistic3A_196 : vector<49x3136xf32>
    %reduce_max3A_198 = arith.constant dense<0xFF800000> : vector<3136xf32>
    %reduce_max3A_199 = vector.multi_reduction <maximumf>, %logistic3A_197, %reduce_max3A_198 [0] : vector<49x3136xf32> to vector<3136xf32>
    %broadcast_in_dim3A_200 = vector.shape_cast %reduce_max3A_199 : vector<3136xf32> to vector<1x3136xf32>
    %ge3A_201 = vector.broadcast %broadcast_in_dim3A_200 : vector<1x3136xf32> to vector<49x3136xf32>
    %ge3A_202 = arith.cmpf oge, %logistic3A_197, %ge3A_201 : vector<49x3136xf32>
    %convert_element_type3A_203 = arith.extui %ge3A_202 : vector<49x3136xi1> to vector<49x3136xi32>
    %convert_element_type3A_204 = arith.sitofp %convert_element_type3A_203 : vector<49x3136xi32> to vector<49x3136xf32>
    %convert_element_type3A_205 = arith.truncf %convert_element_type3A_204 : vector<49x3136xf32> to vector<49x3136xbf16>
    %dot_general3A_206 = arith.constant dense<0.000000e+00> : vector<49x3136xf32>
    %dot_general3A_207 = tpu.matmul %convert_element_type3A_18, %convert_element_type3A_205, %dot_general3A_206 {dimension_numbers = #tpu.dot_dimension_numbers<[1], [0], [0], [1], [0, 0, 1, 1], [], []>, transpose_lhs_hint = false} : vector<49x49xbf16>, vector<49x3136xbf16>, vector<49x3136xf32> -> vector<49x3136xf32>
    %eq3A_208 = arith.constant 1.000000e+00 : f32
    %eq3A_209 = vector.broadcast %eq3A_208 : f32 to vector<49x3136xf32>
    %eq3A_210 = arith.cmpf oeq, %dot_general3A_207, %eq3A_209 : vector<49x3136xf32>
    %jit3A_211 = arith.constant 0.000000e+00 : f32
    %broadcast_in_dim3A_212 = vector.broadcast %jit3A_211 : f32 to vector<49x3136xf32>
    %select_n3A_213 = arith.select %eq3A_210, %convert_element_type3A_204, %broadcast_in_dim3A_212 : vector<49x3136xi1>, vector<49x3136xf32>
    %mul3A_214 = vector.broadcast %broadcast_in_dim3A_200 : vector<1x3136xf32> to vector<49x3136xf32>
    %mul3A_215 = arith.mulf %select_n3A_213, %mul3A_214 : vector<49x3136xf32>
    %broadcast_in_dim3A_216 = arith.constant 1.000000e+00 : f32
    %broadcast_in_dim3A_217 = vector.broadcast %broadcast_in_dim3A_216 : f32 to vector<1x3136xf32>
    %concatenate3A_218 = tpu.concatenate %slice3A_161, %broadcast_in_dim3A_217 in 0 : vector<48x3136xf32>, vector<1x3136xf32> -> vector<49x3136xf32>
    %convert_element_type3A_219 = arith.truncf %concatenate3A_218 : vector<49x3136xf32> to vector<49x3136xbf16>
    %convert_element_type3A_220 = arith.extf %convert_element_type3A_219 : vector<49x3136xbf16> to vector<49x3136xf32>
    %sub3A_221 = arith.subf %concatenate3A_218, %convert_element_type3A_220 : vector<49x3136xf32>
    %convert_element_type3A_222 = arith.truncf %sub3A_221 : vector<49x3136xf32> to vector<49x3136xbf16>
    %convert_element_type3A_223 = arith.truncf %mul3A_215 : vector<49x3136xf32> to vector<49x3136xbf16>
    %convert_element_type3A_224 = arith.extf %convert_element_type3A_223 : vector<49x3136xbf16> to vector<49x3136xf32>
    %sub3A_225 = arith.subf %mul3A_215, %convert_element_type3A_224 : vector<49x3136xf32>
    %convert_element_type3A_226 = arith.truncf %sub3A_225 : vector<49x3136xf32> to vector<49x3136xbf16>
    %dot_general3A_227 = arith.constant dense<0.000000e+00> : vector<49x49xf32>
    %dot_general3A_228 = tpu.matmul %convert_element_type3A_219, %convert_element_type3A_223, %dot_general3A_227 {dimension_numbers = #tpu.dot_dimension_numbers<[1], [1], [0], [0], [0, 0, 1, 0], [], []>, transpose_lhs_hint = false} : vector<49x3136xbf16>, vector<49x3136xbf16>, vector<49x49xf32> -> vector<49x49xf32>
    %dot_general3A_229 = arith.constant dense<0.000000e+00> : vector<49x49xf32>
    %dot_general3A_230 = tpu.matmul %convert_element_type3A_219, %convert_element_type3A_226, %dot_general3A_229 {dimension_numbers = #tpu.dot_dimension_numbers<[1], [1], [0], [0], [0, 0, 1, 0], [], []>, transpose_lhs_hint = false} : vector<49x3136xbf16>, vector<49x3136xbf16>, vector<49x49xf32> -> vector<49x49xf32>
    %add3A_231 = arith.addf %dot_general3A_228, %dot_general3A_230 : vector<49x49xf32>
    %dot_general3A_232 = arith.constant dense<0.000000e+00> : vector<49x49xf32>
    %dot_general3A_233 = tpu.matmul %convert_element_type3A_222, %convert_element_type3A_223, %dot_general3A_232 {dimension_numbers = #tpu.dot_dimension_numbers<[1], [1], [0], [0], [0, 0, 1, 0], [], []>, transpose_lhs_hint = false} : vector<49x3136xbf16>, vector<49x3136xbf16>, vector<49x49xf32> -> vector<49x49xf32>
    %add3A_234 = arith.addf %add3A_231, %dot_general3A_233 : vector<49x49xf32>
    %slice3A_235 = vector.extract_strided_slice %add3A_234 {offsets = [0, 0], sizes = [48, 49], strides = [1, 1]} : vector<49x49xf32> to vector<48x49xf32>
    %add3A_236 = arith.addf %slice3A_163, %slice3A_235 : vector<48x49xf32>
    %slice3A_237 = vector.extract_strided_slice %add3A_234 {offsets = [48, 0], sizes = [1, 49], strides = [1, 1]} : vector<49x49xf32> to vector<1x49xf32>
    %add3A_238 = arith.constant 1.000000e+00 : f32
    %add3A_239 = vector.broadcast %add3A_238 : f32 to vector<1x49xf32>
    %add3A_240 = arith.addf %add3A_239, %slice3A_237 : vector<1x49xf32>
    %div3A_241 = vector.broadcast %add3A_240 : vector<1x49xf32> to vector<48x49xf32>
    %div3A_242 = arith.divf %add3A_236, %div3A_241 : vector<48x49xf32>
    %convert_element_type3A_243 = arith.truncf %div3A_242 : vector<48x49xf32> to vector<48x49xbf16>
    %convert_element_type3A_244 = arith.extf %convert_element_type3A_243 : vector<48x49xbf16> to vector<48x49xf32>
    %sub3A_245 = arith.subf %div3A_242, %convert_element_type3A_244 : vector<48x49xf32>
    %convert_element_type3A_246 = arith.truncf %sub3A_245 : vector<48x49xf32> to vector<48x49xbf16>
    %convert_element_type3A_247 = arith.truncf %mul3A_215 : vector<49x3136xf32> to vector<49x3136xbf16>
    %convert_element_type3A_248 = arith.extf %convert_element_type3A_247 : vector<49x3136xbf16> to vector<49x3136xf32>
    %sub3A_249 = arith.subf %mul3A_215, %convert_element_type3A_248 : vector<49x3136xf32>
    %convert_element_type3A_250 = arith.truncf %sub3A_249 : vector<49x3136xf32> to vector<49x3136xbf16>
    %dot_general3A_251 = arith.constant dense<0.000000e+00> : vector<48x3136xf32>
    %dot_general3A_252 = tpu.matmul %convert_element_type3A_243, %convert_element_type3A_247, %dot_general3A_251 {dimension_numbers = #tpu.dot_dimension_numbers<[1], [0], [0], [1], [0, 0, 1, 1], [], []>, transpose_lhs_hint = false} : vector<48x49xbf16>, vector<49x3136xbf16>, vector<48x3136xf32> -> vector<48x3136xf32>
    %dot_general3A_253 = arith.constant dense<0.000000e+00> : vector<48x3136xf32>
    %dot_general3A_254 = tpu.matmul %convert_element_type3A_243, %convert_element_type3A_250, %dot_general3A_253 {dimension_numbers = #tpu.dot_dimension_numbers<[1], [0], [0], [1], [0, 0, 1, 1], [], []>, transpose_lhs_hint = false} : vector<48x49xbf16>, vector<49x3136xbf16>, vector<48x3136xf32> -> vector<48x3136xf32>
    %add3A_255 = arith.addf %dot_general3A_252, %dot_general3A_254 : vector<48x3136xf32>
    %dot_general3A_256 = arith.constant dense<0.000000e+00> : vector<48x3136xf32>
    %dot_general3A_257 = tpu.matmul %convert_element_type3A_246, %convert_element_type3A_247, %dot_general3A_256 {dimension_numbers = #tpu.dot_dimension_numbers<[1], [0], [0], [1], [0, 0, 1, 1], [], []>, transpose_lhs_hint = false} : vector<48x49xbf16>, vector<49x3136xbf16>, vector<48x3136xf32> -> vector<48x3136xf32>
    %add3A_258 = arith.addf %add3A_255, %dot_general3A_257 : vector<48x3136xf32>
    %convert_element_type3A_259 = arith.truncf %add3A_258 : vector<48x3136xf32> to vector<48x3136xbf16>
    %swap3A_260 = arith.constant 48 : index
    %swap3A_261 = arith.constant 0 : index
    %swap3A_262 = vector.load %arg14[%swap3A_260, %swap3A_261] : memref<384x3136xbf16, #tpu.memory_space<vmem>>, vector<48x3136xbf16>
    tpu.vector_store %arg14[%swap3A_260, %swap3A_261], %convert_element_type3A_259 {strides = array<i32>} : memref<384x3136xbf16, #tpu.memory_space<vmem>>, vector<48x3136xbf16>,
    %get3A_263 = arith.constant 192 : index
    %get3A_264 = arith.constant 0 : index
    %get3A_265 = vector.load %arg6[%get3A_263, %get3A_264] : memref<768x384xf32, #tpu.memory_space<vmem>>, vector<96x384xf32>
    %get3A_266 = arith.constant 192 : index
    %get3A_267 = arith.constant 0 : index
    %get3A_268 = vector.load %arg7[%get3A_266, %get3A_267] : memref<768x1xf32, #tpu.memory_space<vmem>>, vector<96x1xf32>
    %convert_element_type3A_269 = arith.truncf %get3A_265 : vector<96x384xf32> to vector<96x384xbf16>
    %dot_general3A_270 = arith.constant dense<0.000000e+00> : vector<96x3136xf32>
    %dot_general3A_271 = tpu.matmul %convert_element_type3A_269, %convert_element_type3A, %dot_general3A_270 {dimension_numbers = #tpu.dot_dimension_numbers<[1], [0], [0], [1], [0, 0, 1, 1], [], []>, transpose_lhs_hint = false} : vector<96x384xbf16>, vector<384x3136xbf16>, vector<96x3136xf32> -> vector<96x3136xf32>
    %add3A_272 = vector.broadcast %get3A_268 : vector<96x1xf32> to vector<96x3136xf32>
    %add3A_273 = arith.addf %dot_general3A_271, %add3A_272 : vector<96x3136xf32>
    %convert_element_type3A_274 = arith.truncf %add3A_273 : vector<96x3136xf32> to vector<96x3136xbf16>
    %convert_element_type3A_275 = arith.extf %convert_element_type3A_274 : vector<96x3136xbf16> to vector<96x3136xf32>
    %sub3A_276 = arith.subf %add3A_273, %convert_element_type3A_275 : vector<96x3136xf32>
    %convert_element_type3A_277 = arith.truncf %sub3A_276 : vector<96x3136xf32> to vector<96x3136xbf16>
    %convert_element_type3A_278 = arith.extf %convert_element_type3A_277 : vector<96x3136xbf16> to vector<96x3136xf32>
    %sub3A_279 = arith.subf %sub3A_276, %convert_element_type3A_278 : vector<96x3136xf32>
    %convert_element_type3A_280 = arith.truncf %sub3A_279 : vector<96x3136xf32> to vector<96x3136xbf16>
    %dot_general3A_281 = arith.constant dense<0.000000e+00> : vector<96x49xf32>
    %dot_general3A_282 = tpu.matmul %convert_element_type3A_274, %get3A_8, %dot_general3A_281 {dimension_numbers = #tpu.dot_dimension_numbers<[1], [0], [0], [1], [0, 0, 1, 1], [], []>, transpose_lhs_hint = false} : vector<96x3136xbf16>, vector<3136x49xbf16>, vector<96x49xf32> -> vector<96x49xf32>
    %dot_general3A_283 = arith.constant dense<0.000000e+00> : vector<96x49xf32>
    %dot_general3A_284 = tpu.matmul %convert_element_type3A_277, %get3A_8, %dot_general3A_283 {dimension_numbers = #tpu.dot_dimension_numbers<[1], [0], [0], [1], [0, 0, 1, 1], [], []>, transpose_lhs_hint = false} : vector<96x3136xbf16>, vector<3136x49xbf16>, vector<96x49xf32> -> vector<96x49xf32>
    %add3A_285 = arith.addf %dot_general3A_282, %dot_general3A_284 : vector<96x49xf32>
    %dot_general3A_286 = arith.constant dense<0.000000e+00> : vector<96x49xf32>
    %dot_general3A_287 = tpu.matmul %convert_element_type3A_280, %get3A_8, %dot_general3A_286 {dimension_numbers = #tpu.dot_dimension_numbers<[1], [0], [0], [1], [0, 0, 1, 1], [], []>, transpose_lhs_hint = false} : vector<96x3136xbf16>, vector<3136x49xbf16>, vector<96x49xf32> -> vector<96x49xf32>
    %add3A_288 = arith.addf %add3A_285, %dot_general3A_287 : vector<96x49xf32>
    %slice3A_289 = vector.extract_strided_slice %add3A_273 {offsets = [0, 0], sizes = [48, 3136], strides = [1, 1]} : vector<96x3136xf32> to vector<48x3136xf32>
    %slice3A_290 = vector.extract_strided_slice %add3A_273 {offsets = [48, 0], sizes = [48, 3136], strides = [1, 1]} : vector<96x3136xf32> to vector<48x3136xf32>
    %slice3A_291 = vector.extract_strided_slice %add3A_288 {offsets = [0, 0], sizes = [48, 49], strides = [1, 1]} : vector<96x49xf32> to vector<48x49xf32>
    %slice3A_292 = vector.extract_strided_slice %add3A_288 {offsets = [48, 0], sizes = [48, 49], strides = [1, 1]} : vector<96x49xf32> to vector<48x49xf32>
    %mul3A_293 = arith.mulf %slice3A_289, %slice3A_289 : vector<48x3136xf32>
    %reduce_sum3A_294 = arith.constant dense<0.000000e+00> : vector<3136xf32>
    %reduce_sum3A_295 = vector.multi_reduction <add>, %mul3A_293, %reduce_sum3A_294 [0] : vector<48x3136xf32> to vector<3136xf32>
    %broadcast_in_dim3A_296 = vector.shape_cast %reduce_sum3A_295 : vector<3136xf32> to vector<1x3136xf32>
    %sqrt3A_297 = math.sqrt %broadcast_in_dim3A_296 : vector<1x3136xf32>
    %max3A_298 = arith.constant 9.99999996E-13 : f32
    %max3A_299 = vector.broadcast %max3A_298 : f32 to vector<1x3136xf32>
    %max3A_300 = arith.maximumf %sqrt3A_297, %max3A_299 : vector<1x3136xf32>
    %div3A_301 = vector.broadcast %max3A_300 : vector<1x3136xf32> to vector<48x3136xf32>
    %div3A_302 = arith.divf %slice3A_289, %div3A_301 : vector<48x3136xf32>
    %mul3A_303 = arith.mulf %slice3A_291, %slice3A_291 : vector<48x49xf32>
    %reduce_sum3A_304 = arith.constant dense<0.000000e+00> : vector<49xf32>
    %reduce_sum3A_305 = vector.multi_reduction <add>, %mul3A_303, %reduce_sum3A_304 [0] : vector<48x49xf32> to vector<49xf32>
    %broadcast_in_dim3A_306 = vector.shape_cast %reduce_sum3A_305 : vector<49xf32> to vector<1x49xf32>
    %sqrt3A_307 = math.sqrt %broadcast_in_dim3A_306 : vector<1x49xf32>
    %max3A_308 = arith.constant 9.99999996E-13 : f32
    %max3A_309 = vector.broadcast %max3A_308 : f32 to vector<1x49xf32>
    %max3A_310 = arith.maximumf %sqrt3A_307, %max3A_309 : vector<1x49xf32>
    %div3A_311 = vector.broadcast %max3A_310 : vector<1x49xf32> to vector<48x49xf32>
    %div3A_312 = arith.divf %slice3A_291, %div3A_311 : vector<48x49xf32>
    %convert_element_type3A_313 = arith.truncf %div3A_312 : vector<48x49xf32> to vector<48x49xbf16>
    %convert_element_type3A_314 = arith.truncf %div3A_302 : vector<48x3136xf32> to vector<48x3136xbf16>
    %dot_general3A_315 = arith.constant dense<0.000000e+00> : vector<49x3136xf32>
    %dot_general3A_316 = tpu.matmul %convert_element_type3A_313, %convert_element_type3A_314, %dot_general3A_315 {dimension_numbers = #tpu.dot_dimension_numbers<[0], [0], [1], [1], [0, 1, 1, 1], [], []>, transpose_lhs_hint = false} : vector<48x49xbf16>, vector<48x3136xbf16>, vector<49x3136xf32> -> vector<49x3136xf32>
    %mul3A_317 = vector.broadcast %get3A_11 : f32 to vector<49x3136xf32>
    %mul3A_318 = arith.mulf %mul3A_317, %dot_general3A_316 : vector<49x3136xf32>
    %add3A_319 = vector.broadcast %get3A_14 : f32 to vector<49x3136xf32>
    %add3A_320 = arith.addf %mul3A_318, %add3A_319 : vector<49x3136xf32>
    %logistic3A_321 = arith.negf %add3A_320 : vector<49x3136xf32>
    %logistic3A_322 = math.exp %logistic3A_321 : vector<49x3136xf32>
    %logistic3A_323 = arith.constant 1.000000e+00 : f32
    %logistic3A_324 = vector.broadcast %logistic3A_323 : f32 to vector<49x3136xf32>
    %logistic3A_325 = arith.addf %logistic3A_324, %logistic3A_322 : vector<49x3136xf32>
    %logistic3A_326 = arith.divf %logistic3A_324, %logistic3A_325 : vector<49x3136xf32>
    %reduce_max3A_327 = arith.constant dense<0xFF800000> : vector<3136xf32>
    %reduce_max3A_328 = vector.multi_reduction <maximumf>, %logistic3A_326, %reduce_max3A_327 [0] : vector<49x3136xf32> to vector<3136xf32>
    %broadcast_in_dim3A_329 = vector.shape_cast %reduce_max3A_328 : vector<3136xf32> to vector<1x3136xf32>
    %ge3A_330 = vector.broadcast %broadcast_in_dim3A_329 : vector<1x3136xf32> to vector<49x3136xf32>
    %ge3A_331 = arith.cmpf oge, %logistic3A_326, %ge3A_330 : vector<49x3136xf32>
    %convert_element_type3A_332 = arith.extui %ge3A_331 : vector<49x3136xi1> to vector<49x3136xi32>
    %convert_element_type3A_333 = arith.sitofp %convert_element_type3A_332 : vector<49x3136xi32> to vector<49x3136xf32>
    %convert_element_type3A_334 = arith.truncf %convert_element_type3A_333 : vector<49x3136xf32> to vector<49x3136xbf16>
    %dot_general3A_335 = arith.constant dense<0.000000e+00> : vector<49x3136xf32>
    %dot_general3A_336 = tpu.matmul %convert_element_type3A_18, %convert_element_type3A_334, %dot_general3A_335 {dimension_numbers = #tpu.dot_dimension_numbers<[1], [0], [0], [1], [0, 0, 1, 1], [], []>, transpose_lhs_hint = false} : vector<49x49xbf16>, vector<49x3136xbf16>, vector<49x3136xf32> -> vector<49x3136xf32>
    %eq3A_337 = arith.constant 1.000000e+00 : f32
    %eq3A_338 = vector.broadcast %eq3A_337 : f32 to vector<49x3136xf32>
    %eq3A_339 = arith.cmpf oeq, %dot_general3A_336, %eq3A_338 : vector<49x3136xf32>
    %jit3A_340 = arith.constant 0.000000e+00 : f32
    %broadcast_in_dim3A_341 = vector.broadcast %jit3A_340 : f32 to vector<49x3136xf32>
    %select_n3A_342 = arith.select %eq3A_339, %convert_element_type3A_333, %broadcast_in_dim3A_341 : vector<49x3136xi1>, vector<49x3136xf32>
    %mul3A_343 = vector.broadcast %broadcast_in_dim3A_329 : vector<1x3136xf32> to vector<49x3136xf32>
    %mul3A_344 = arith.mulf %select_n3A_342, %mul3A_343 : vector<49x3136xf32>
    %broadcast_in_dim3A_345 = arith.constant 1.000000e+00 : f32
    %broadcast_in_dim3A_346 = vector.broadcast %broadcast_in_dim3A_345 : f32 to vector<1x3136xf32>
    %concatenate3A_347 = tpu.concatenate %slice3A_290, %broadcast_in_dim3A_346 in 0 : vector<48x3136xf32>, vector<1x3136xf32> -> vector<49x3136xf32>
    %convert_element_type3A_348 = arith.truncf %concatenate3A_347 : vector<49x3136xf32> to vector<49x3136xbf16>
    %convert_element_type3A_349 = arith.extf %convert_element_type3A_348 : vector<49x3136xbf16> to vector<49x3136xf32>
    %sub3A_350 = arith.subf %concatenate3A_347, %convert_element_type3A_349 : vector<49x3136xf32>
    %convert_element_type3A_351 = arith.truncf %sub3A_350 : vector<49x3136xf32> to vector<49x3136xbf16>
    %convert_element_type3A_352 = arith.truncf %mul3A_344 : vector<49x3136xf32> to vector<49x3136xbf16>
    %convert_element_type3A_353 = arith.extf %convert_element_type3A_352 : vector<49x3136xbf16> to vector<49x3136xf32>
    %sub3A_354 = arith.subf %mul3A_344, %convert_element_type3A_353 : vector<49x3136xf32>
    %convert_element_type3A_355 = arith.truncf %sub3A_354 : vector<49x3136xf32> to vector<49x3136xbf16>
    %dot_general3A_356 = arith.constant dense<0.000000e+00> : vector<49x49xf32>
    %dot_general3A_357 = tpu.matmul %convert_element_type3A_348, %convert_element_type3A_352, %dot_general3A_356 {dimension_numbers = #tpu.dot_dimension_numbers<[1], [1], [0], [0], [0, 0, 1, 0], [], []>, transpose_lhs_hint = false} : vector<49x3136xbf16>, vector<49x3136xbf16>, vector<49x49xf32> -> vector<49x49xf32>
    %dot_general3A_358 = arith.constant dense<0.000000e+00> : vector<49x49xf32>
    %dot_general3A_359 = tpu.matmul %convert_element_type3A_348, %convert_element_type3A_355, %dot_general3A_358 {dimension_numbers = #tpu.dot_dimension_numbers<[1], [1], [0], [0], [0, 0, 1, 0], [], []>, transpose_lhs_hint = false} : vector<49x3136xbf16>, vector<49x3136xbf16>, vector<49x49xf32> -> vector<49x49xf32>
    %add3A_360 = arith.addf %dot_general3A_357, %dot_general3A_359 : vector<49x49xf32>
    %dot_general3A_361 = arith.constant dense<0.000000e+00> : vector<49x49xf32>
    %dot_general3A_362 = tpu.matmul %convert_element_type3A_351, %convert_element_type3A_352, %dot_general3A_361 {dimension_numbers = #tpu.dot_dimension_numbers<[1], [1], [0], [0], [0, 0, 1, 0], [], []>, transpose_lhs_hint = false} : vector<49x3136xbf16>, vector<49x3136xbf16>, vector<49x49xf32> -> vector<49x49xf32>
    %add3A_363 = arith.addf %add3A_360, %dot_general3A_362 : vector<49x49xf32>
    %slice3A_364 = vector.extract_strided_slice %add3A_363 {offsets = [0, 0], sizes = [48, 49], strides = [1, 1]} : vector<49x49xf32> to vector<48x49xf32>
    %add3A_365 = arith.addf %slice3A_292, %slice3A_364 : vector<48x49xf32>
    %slice3A_366 = vector.extract_strided_slice %add3A_363 {offsets = [48, 0], sizes = [1, 49], strides = [1, 1]} : vector<49x49xf32> to vector<1x49xf32>
    %add3A_367 = arith.constant 1.000000e+00 : f32
    %add3A_368 = vector.broadcast %add3A_367 : f32 to vector<1x49xf32>
    %add3A_369 = arith.addf %add3A_368, %slice3A_366 : vector<1x49xf32>
    %div3A_370 = vector.broadcast %add3A_369 : vector<1x49xf32> to vector<48x49xf32>
    %div3A_371 = arith.divf %add3A_365, %div3A_370 : vector<48x49xf32>
    %convert_element_type3A_372 = arith.truncf %div3A_371 : vector<48x49xf32> to vector<48x49xbf16>
    %convert_element_type3A_373 = arith.extf %convert_element_type3A_372 : vector<48x49xbf16> to vector<48x49xf32>
    %sub3A_374 = arith.subf %div3A_371, %convert_element_type3A_373 : vector<48x49xf32>
    %convert_element_type3A_375 = arith.truncf %sub3A_374 : vector<48x49xf32> to vector<48x49xbf16>
    %convert_element_type3A_376 = arith.truncf %mul3A_344 : vector<49x3136xf32> to vector<49x3136xbf16>
    %convert_element_type3A_377 = arith.extf %convert_element_type3A_376 : vector<49x3136xbf16> to vector<49x3136xf32>
    %sub3A_378 = arith.subf %mul3A_344, %convert_element_type3A_377 : vector<49x3136xf32>
    %convert_element_type3A_379 = arith.truncf %sub3A_378 : vector<49x3136xf32> to vector<49x3136xbf16>
    %dot_general3A_380 = arith.constant dense<0.000000e+00> : vector<48x3136xf32>
    %dot_general3A_381 = tpu.matmul %convert_element_type3A_372, %convert_element_type3A_376, %dot_general3A_380 {dimension_numbers = #tpu.dot_dimension_numbers<[1], [0], [0], [1], [0, 0, 1, 1], [], []>, transpose_lhs_hint = false} : vector<48x49xbf16>, vector<49x3136xbf16>, vector<48x3136xf32> -> vector<48x3136xf32>
    %dot_general3A_382 = arith.constant dense<0.000000e+00> : vector<48x3136xf32>
    %dot_general3A_383 = tpu.matmul %convert_element_type3A_372, %convert_element_type3A_379, %dot_general3A_382 {dimension_numbers = #tpu.dot_dimension_numbers<[1], [0], [0], [1], [0, 0, 1, 1], [], []>, transpose_lhs_hint = false} : vector<48x49xbf16>, vector<49x3136xbf16>, vector<48x3136xf32> -> vector<48x3136xf32>
    %add3A_384 = arith.addf %dot_general3A_381, %dot_general3A_383 : vector<48x3136xf32>
    %dot_general3A_385 = arith.constant dense<0.000000e+00> : vector<48x3136xf32>
    %dot_general3A_386 = tpu.matmul %convert_element_type3A_375, %convert_element_type3A_376, %dot_general3A_385 {dimension_numbers = #tpu.dot_dimension_numbers<[1], [0], [0], [1], [0, 0, 1, 1], [], []>, transpose_lhs_hint = false} : vector<48x49xbf16>, vector<49x3136xbf16>, vector<48x3136xf32> -> vector<48x3136xf32>
    %add3A_387 = arith.addf %add3A_384, %dot_general3A_386 : vector<48x3136xf32>
    %convert_element_type3A_388 = arith.truncf %add3A_387 : vector<48x3136xf32> to vector<48x3136xbf16>
    %swap3A_389 = arith.constant 96 : index
    %swap3A_390 = arith.constant 0 : index
    %swap3A_391 = vector.load %arg14[%swap3A_389, %swap3A_390] : memref<384x3136xbf16, #tpu.memory_space<vmem>>, vector<48x3136xbf16>
    tpu.vector_store %arg14[%swap3A_389, %swap3A_390], %convert_element_type3A_388 {strides = array<i32>} : memref<384x3136xbf16, #tpu.memory_space<vmem>>, vector<48x3136xbf16>,
    %get3A_392 = arith.constant 288 : index
    %get3A_393 = arith.constant 0 : index
    %get3A_394 = vector.load %arg6[%get3A_392, %get3A_393] : memref<768x384xf32, #tpu.memory_space<vmem>>, vector<96x384xf32>
    %get3A_395 = arith.constant 288 : index
    %get3A_396 = arith.constant 0 : index
    %get3A_397 = vector.load %arg7[%get3A_395, %get3A_396] : memref<768x1xf32, #tpu.memory_space<vmem>>, vector<96x1xf32>
    %convert_element_type3A_398 = arith.truncf %get3A_394 : vector<96x384xf32> to vector<96x384xbf16>
    %dot_general3A_399 = arith.constant dense<0.000000e+00> : vector<96x3136xf32>
    %dot_general3A_400 = tpu.matmul %convert_element_type3A_398, %convert_element_type3A, %dot_general3A_399 {dimension_numbers = #tpu.dot_dimension_numbers<[1], [0], [0], [1], [0, 0, 1, 1], [], []>, transpose_lhs_hint = false} : vector<96x384xbf16>, vector<384x3136xbf16>, vector<96x3136xf32> -> vector<96x3136xf32>
    %add3A_401 = vector.broadcast %get3A_397 : vector<96x1xf32> to vector<96x3136xf32>
    %add3A_402 = arith.addf %dot_general3A_400, %add3A_401 : vector<96x3136xf32>
    %convert_element_type3A_403 = arith.truncf %add3A_402 : vector<96x3136xf32> to vector<96x3136xbf16>
    %convert_element_type3A_404 = arith.extf %convert_element_type3A_403 : vector<96x3136xbf16> to vector<96x3136xf32>
    %sub3A_405 = arith.subf %add3A_402, %convert_element_type3A_404 : vector<96x3136xf32>
    %convert_element_type3A_406 = arith.truncf %sub3A_405 : vector<96x3136xf32> to vector<96x3136xbf16>
    %convert_element_type3A_407 = arith.extf %convert_element_type3A_406 : vector<96x3136xbf16> to vector<96x3136xf32>
    %sub3A_408 = arith.subf %sub3A_405, %convert_element_type3A_407 : vector<96x3136xf32>
    %convert_element_type3A_409 = arith.truncf %sub3A_408 : vector<96x3136xf32> to vector<96x3136xbf16>
    %dot_general3A_410 = arith.constant dense<0.000000e+00> : vector<96x49xf32>
    %dot_general3A_411 = tpu.matmul %convert_element_type3A_403, %get3A_8, %dot_general3A_410 {dimension_numbers = #tpu.dot_dimension_numbers<[1], [0], [0], [1], [0, 0, 1, 1], [], []>, transpose_lhs_hint = false} : vector<96x3136xbf16>, vector<3136x49xbf16>, vector<96x49xf32> -> vector<96x49xf32>
    %dot_general3A_412 = arith.constant dense<0.000000e+00> : vector<96x49xf32>
    %dot_general3A_413 = tpu.matmul %convert_element_type3A_406, %get3A_8, %dot_general3A_412 {dimension_numbers = #tpu.dot_dimension_numbers<[1], [0], [0], [1], [0, 0, 1, 1], [], []>, transpose_lhs_hint = false} : vector<96x3136xbf16>, vector<3136x49xbf16>, vector<96x49xf32> -> vector<96x49xf32>
    %add3A_414 = arith.addf %dot_general3A_411, %dot_general3A_413 : vector<96x49xf32>
    %dot_general3A_415 = arith.constant dense<0.000000e+00> : vector<96x49xf32>
    %dot_general3A_416 = tpu.matmul %convert_element_type3A_409, %get3A_8, %dot_general3A_415 {dimension_numbers = #tpu.dot_dimension_numbers<[1], [0], [0], [1], [0, 0, 1, 1], [], []>, transpose_lhs_hint = false} : vector<96x3136xbf16>, vector<3136x49xbf16>, vector<96x49xf32> -> vector<96x49xf32>
    %add3A_417 = arith.addf %add3A_414, %dot_general3A_416 : vector<96x49xf32>
    %slice3A_418 = vector.extract_strided_slice %add3A_402 {offsets = [0, 0], sizes = [48, 3136], strides = [1, 1]} : vector<96x3136xf32> to vector<48x3136xf32>
    %slice3A_419 = vector.extract_strided_slice %add3A_402 {offsets = [48, 0], sizes = [48, 3136], strides = [1, 1]} : vector<96x3136xf32> to vector<48x3136xf32>
    %slice3A_420 = vector.extract_strided_slice %add3A_417 {offsets = [0, 0], sizes = [48, 49], strides = [1, 1]} : vector<96x49xf32> to vector<48x49xf32>
    %slice3A_421 = vector.extract_strided_slice %add3A_417 {offsets = [48, 0], sizes = [48, 49], strides = [1, 1]} : vector<96x49xf32> to vector<48x49xf32>
    %mul3A_422 = arith.mulf %slice3A_418, %slice3A_418 : vector<48x3136xf32>
    %reduce_sum3A_423 = arith.constant dense<0.000000e+00> : vector<3136xf32>
    %reduce_sum3A_424 = vector.multi_reduction <add>, %mul3A_422, %reduce_sum3A_423 [0] : vector<48x3136xf32> to vector<3136xf32>
    %broadcast_in_dim3A_425 = vector.shape_cast %reduce_sum3A_424 : vector<3136xf32> to vector<1x3136xf32>
    %sqrt3A_426 = math.sqrt %broadcast_in_dim3A_425 : vector<1x3136xf32>
    %max3A_427 = arith.constant 9.99999996E-13 : f32
    %max3A_428 = vector.broadcast %max3A_427 : f32 to vector<1x3136xf32>
    %max3A_429 = arith.maximumf %sqrt3A_426, %max3A_428 : vector<1x3136xf32>
    %div3A_430 = vector.broadcast %max3A_429 : vector<1x3136xf32> to vector<48x3136xf32>
    %div3A_431 = arith.divf %slice3A_418, %div3A_430 : vector<48x3136xf32>
    %mul3A_432 = arith.mulf %slice3A_420, %slice3A_420 : vector<48x49xf32>
    %reduce_sum3A_433 = arith.constant dense<0.000000e+00> : vector<49xf32>
    %reduce_sum3A_434 = vector.multi_reduction <add>, %mul3A_432, %reduce_sum3A_433 [0] : vector<48x49xf32> to vector<49xf32>
    %broadcast_in_dim3A_435 = vector.shape_cast %reduce_sum3A_434 : vector<49xf32> to vector<1x49xf32>
    %sqrt3A_436 = math.sqrt %broadcast_in_dim3A_435 : vector<1x49xf32>
    %max3A_437 = arith.constant 9.99999996E-13 : f32
    %max3A_438 = vector.broadcast %max3A_437 : f32 to vector<1x49xf32>
    %max3A_439 = arith.maximumf %sqrt3A_436, %max3A_438 : vector<1x49xf32>
    %div3A_440 = vector.broadcast %max3A_439 : vector<1x49xf32> to vector<48x49xf32>
    %div3A_441 = arith.divf %slice3A_420, %div3A_440 : vector<48x49xf32>
    %convert_element_type3A_442 = arith.truncf %div3A_441 : vector<48x49xf32> to vector<48x49xbf16>
    %convert_element_type3A_443 = arith.truncf %div3A_431 : vector<48x3136xf32> to vector<48x3136xbf16>
    %dot_general3A_444 = arith.constant dense<0.000000e+00> : vector<49x3136xf32>
    %dot_general3A_445 = tpu.matmul %convert_element_type3A_442, %convert_element_type3A_443, %dot_general3A_444 {dimension_numbers = #tpu.dot_dimension_numbers<[0], [0], [1], [1], [0, 1, 1, 1], [], []>, transpose_lhs_hint = false} : vector<48x49xbf16>, vector<48x3136xbf16>, vector<49x3136xf32> -> vector<49x3136xf32>
    %mul3A_446 = vector.broadcast %get3A_11 : f32 to vector<49x3136xf32>
    %mul3A_447 = arith.mulf %mul3A_446, %dot_general3A_445 : vector<49x3136xf32>
    %add3A_448 = vector.broadcast %get3A_14 : f32 to vector<49x3136xf32>
    %add3A_449 = arith.addf %mul3A_447, %add3A_448 : vector<49x3136xf32>
    %logistic3A_450 = arith.negf %add3A_449 : vector<49x3136xf32>
    %logistic3A_451 = math.exp %logistic3A_450 : vector<49x3136xf32>
    %logistic3A_452 = arith.constant 1.000000e+00 : f32
    %logistic3A_453 = vector.broadcast %logistic3A_452 : f32 to vector<49x3136xf32>
    %logistic3A_454 = arith.addf %logistic3A_453, %logistic3A_451 : vector<49x3136xf32>
    %logistic3A_455 = arith.divf %logistic3A_453, %logistic3A_454 : vector<49x3136xf32>
    %reduce_max3A_456 = arith.constant dense<0xFF800000> : vector<3136xf32>
    %reduce_max3A_457 = vector.multi_reduction <maximumf>, %logistic3A_455, %reduce_max3A_456 [0] : vector<49x3136xf32> to vector<3136xf32>
    %broadcast_in_dim3A_458 = vector.shape_cast %reduce_max3A_457 : vector<3136xf32> to vector<1x3136xf32>
    %ge3A_459 = vector.broadcast %broadcast_in_dim3A_458 : vector<1x3136xf32> to vector<49x3136xf32>
    %ge3A_460 = arith.cmpf oge, %logistic3A_455, %ge3A_459 : vector<49x3136xf32>
    %convert_element_type3A_461 = arith.extui %ge3A_460 : vector<49x3136xi1> to vector<49x3136xi32>
    %convert_element_type3A_462 = arith.sitofp %convert_element_type3A_461 : vector<49x3136xi32> to vector<49x3136xf32>
    %convert_element_type3A_463 = arith.truncf %convert_element_type3A_462 : vector<49x3136xf32> to vector<49x3136xbf16>
    %dot_general3A_464 = arith.constant dense<0.000000e+00> : vector<49x3136xf32>
    %dot_general3A_465 = tpu.matmul %convert_element_type3A_18, %convert_element_type3A_463, %dot_general3A_464 {dimension_numbers = #tpu.dot_dimension_numbers<[1], [0], [0], [1], [0, 0, 1, 1], [], []>, transpose_lhs_hint = false} : vector<49x49xbf16>, vector<49x3136xbf16>, vector<49x3136xf32> -> vector<49x3136xf32>
    %eq3A_466 = arith.constant 1.000000e+00 : f32
    %eq3A_467 = vector.broadcast %eq3A_466 : f32 to vector<49x3136xf32>
    %eq3A_468 = arith.cmpf oeq, %dot_general3A_465, %eq3A_467 : vector<49x3136xf32>
    %jit3A_469 = arith.constant 0.000000e+00 : f32
    %broadcast_in_dim3A_470 = vector.broadcast %jit3A_469 : f32 to vector<49x3136xf32>
    %select_n3A_471 = arith.select %eq3A_468, %convert_element_type3A_462, %broadcast_in_dim3A_470 : vector<49x3136xi1>, vector<49x3136xf32>
    %mul3A_472 = vector.broadcast %broadcast_in_dim3A_458 : vector<1x3136xf32> to vector<49x3136xf32>
    %mul3A_473 = arith.mulf %select_n3A_471, %mul3A_472 : vector<49x3136xf32>
    %broadcast_in_dim3A_474 = arith.constant 1.000000e+00 : f32
    %broadcast_in_dim3A_475 = vector.broadcast %broadcast_in_dim3A_474 : f32 to vector<1x3136xf32>
    %concatenate3A_476 = tpu.concatenate %slice3A_419, %broadcast_in_dim3A_475 in 0 : vector<48x3136xf32>, vector<1x3136xf32> -> vector<49x3136xf32>
    %convert_element_type3A_477 = arith.truncf %concatenate3A_476 : vector<49x3136xf32> to vector<49x3136xbf16>
    %convert_element_type3A_478 = arith.extf %convert_element_type3A_477 : vector<49x3136xbf16> to vector<49x3136xf32>
    %sub3A_479 = arith.subf %concatenate3A_476, %convert_element_type3A_478 : vector<49x3136xf32>
    %convert_element_type3A_480 = arith.truncf %sub3A_479 : vector<49x3136xf32> to vector<49x3136xbf16>
    %convert_element_type3A_481 = arith.truncf %mul3A_473 : vector<49x3136xf32> to vector<49x3136xbf16>
    %convert_element_type3A_482 = arith.extf %convert_element_type3A_481 : vector<49x3136xbf16> to vector<49x3136xf32>
    %sub3A_483 = arith.subf %mul3A_473, %convert_element_type3A_482 : vector<49x3136xf32>
    %convert_element_type3A_484 = arith.truncf %sub3A_483 : vector<49x3136xf32> to vector<49x3136xbf16>
    %dot_general3A_485 = arith.constant dense<0.000000e+00> : vector<49x49xf32>
    %dot_general3A_486 = tpu.matmul %convert_element_type3A_477, %convert_element_type3A_481, %dot_general3A_485 {dimension_numbers = #tpu.dot_dimension_numbers<[1], [1], [0], [0], [0, 0, 1, 0], [], []>, transpose_lhs_hint = false} : vector<49x3136xbf16>, vector<49x3136xbf16>, vector<49x49xf32> -> vector<49x49xf32>
    %dot_general3A_487 = arith.constant dense<0.000000e+00> : vector<49x49xf32>
    %dot_general3A_488 = tpu.matmul %convert_element_type3A_477, %convert_element_type3A_484, %dot_general3A_487 {dimension_numbers = #tpu.dot_dimension_numbers<[1], [1], [0], [0], [0, 0, 1, 0], [], []>, transpose_lhs_hint = false} : vector<49x3136xbf16>, vector<49x3136xbf16>, vector<49x49xf32> -> vector<49x49xf32>
    %add3A_489 = arith.addf %dot_general3A_486, %dot_general3A_488 : vector<49x49xf32>
    %dot_general3A_490 = arith.constant dense<0.000000e+00> : vector<49x49xf32>
    %dot_general3A_491 = tpu.matmul %convert_element_type3A_480, %convert_element_type3A_481, %dot_general3A_490 {dimension_numbers = #tpu.dot_dimension_numbers<[1], [1], [0], [0], [0, 0, 1, 0], [], []>, transpose_lhs_hint = false} : vector<49x3136xbf16>, vector<49x3136xbf16>, vector<49x49xf32> -> vector<49x49xf32>
    %add3A_492 = arith.addf %add3A_489, %dot_general3A_491 : vector<49x49xf32>
    %slice3A_493 = vector.extract_strided_slice %add3A_492 {offsets = [0, 0], sizes = [48, 49], strides = [1, 1]} : vector<49x49xf32> to vector<48x49xf32>
    %add3A_494 = arith.addf %slice3A_421, %slice3A_493 : vector<48x49xf32>
    %slice3A_495 = vector.extract_strided_slice %add3A_492 {offsets = [48, 0], sizes = [1, 49], strides = [1, 1]} : vector<49x49xf32> to vector<1x49xf32>
    %add3A_496 = arith.constant 1.000000e+00 : f32
    %add3A_497 = vector.broadcast %add3A_496 : f32 to vector<1x49xf32>
    %add3A_498 = arith.addf %add3A_497, %slice3A_495 : vector<1x49xf32>
    %div3A_499 = vector.broadcast %add3A_498 : vector<1x49xf32> to vector<48x49xf32>
    %div3A_500 = arith.divf %add3A_494, %div3A_499 : vector<48x49xf32>
    %convert_element_type3A_501 = arith.truncf %div3A_500 : vector<48x49xf32> to vector<48x49xbf16>
    %convert_element_type3A_502 = arith.extf %convert_element_type3A_501 : vector<48x49xbf16> to vector<48x49xf32>
    %sub3A_503 = arith.subf %div3A_500, %convert_element_type3A_502 : vector<48x49xf32>
    %convert_element_type3A_504 = arith.truncf %sub3A_503 : vector<48x49xf32> to vector<48x49xbf16>
    %convert_element_type3A_505 = arith.truncf %mul3A_473 : vector<49x3136xf32> to vector<49x3136xbf16>
    %convert_element_type3A_506 = arith.extf %convert_element_type3A_505 : vector<49x3136xbf16> to vector<49x3136xf32>
    %sub3A_507 = arith.subf %mul3A_473, %convert_element_type3A_506 : vector<49x3136xf32>
    %convert_element_type3A_508 = arith.truncf %sub3A_507 : vector<49x3136xf32> to vector<49x3136xbf16>
    %dot_general3A_509 = arith.constant dense<0.000000e+00> : vector<48x3136xf32>
    %dot_general3A_510 = tpu.matmul %convert_element_type3A_501, %convert_element_type3A_505, %dot_general3A_509 {dimension_numbers = #tpu.dot_dimension_numbers<[1], [0], [0], [1], [0, 0, 1, 1], [], []>, transpose_lhs_hint = false} : vector<48x49xbf16>, vector<49x3136xbf16>, vector<48x3136xf32> -> vector<48x3136xf32>
    %dot_general3A_511 = arith.constant dense<0.000000e+00> : vector<48x3136xf32>
    %dot_general3A_512 = tpu.matmul %convert_element_type3A_501, %convert_element_type3A_508, %dot_general3A_511 {dimension_numbers = #tpu.dot_dimension_numbers<[1], [0], [0], [1], [0, 0, 1, 1], [], []>, transpose_lhs_hint = false} : vector<48x49xbf16>, vector<49x3136xbf16>, vector<48x3136xf32> -> vector<48x3136xf32>
    %add3A_513 = arith.addf %dot_general3A_510, %dot_general3A_512 : vector<48x3136xf32>
    %dot_general3A_514 = arith.constant dense<0.000000e+00> : vector<48x3136xf32>
    %dot_general3A_515 = tpu.matmul %convert_element_type3A_504, %convert_element_type3A_505, %dot_general3A_514 {dimension_numbers = #tpu.dot_dimension_numbers<[1], [0], [0], [1], [0, 0, 1, 1], [], []>, transpose_lhs_hint = false} : vector<48x49xbf16>, vector<49x3136xbf16>, vector<48x3136xf32> -> vector<48x3136xf32>
    %add3A_516 = arith.addf %add3A_513, %dot_general3A_515 : vector<48x3136xf32>
    %convert_element_type3A_517 = arith.truncf %add3A_516 : vector<48x3136xf32> to vector<48x3136xbf16>
    %swap3A_518 = arith.constant 144 : index
    %swap3A_519 = arith.constant 0 : index
    %swap3A_520 = vector.load %arg14[%swap3A_518, %swap3A_519] : memref<384x3136xbf16, #tpu.memory_space<vmem>>, vector<48x3136xbf16>
    tpu.vector_store %arg14[%swap3A_518, %swap3A_519], %convert_element_type3A_517 {strides = array<i32>} : memref<384x3136xbf16, #tpu.memory_space<vmem>>, vector<48x3136xbf16>,
    %get3A_521 = arith.constant 384 : index
    %get3A_522 = arith.constant 0 : index
    %get3A_523 = vector.load %arg6[%get3A_521, %get3A_522] : memref<768x384xf32, #tpu.memory_space<vmem>>, vector<96x384xf32>
    %get3A_524 = arith.constant 384 : index
    %get3A_525 = arith.constant 0 : index
    %get3A_526 = vector.load %arg7[%get3A_524, %get3A_525] : memref<768x1xf32, #tpu.memory_space<vmem>>, vector<96x1xf32>
    %convert_element_type3A_527 = arith.truncf %get3A_523 : vector<96x384xf32> to vector<96x384xbf16>
    %dot_general3A_528 = arith.constant dense<0.000000e+00> : vector<96x3136xf32>
    %dot_general3A_529 = tpu.matmul %convert_element_type3A_527, %convert_element_type3A, %dot_general3A_528 {dimension_numbers = #tpu.dot_dimension_numbers<[1], [0], [0], [1], [0, 0, 1, 1], [], []>, transpose_lhs_hint = false} : vector<96x384xbf16>, vector<384x3136xbf16>, vector<96x3136xf32> -> vector<96x3136xf32>
    %add3A_530 = vector.broadcast %get3A_526 : vector<96x1xf32> to vector<96x3136xf32>
    %add3A_531 = arith.addf %dot_general3A_529, %add3A_530 : vector<96x3136xf32>
    %convert_element_type3A_532 = arith.truncf %add3A_531 : vector<96x3136xf32> to vector<96x3136xbf16>
    %convert_element_type3A_533 = arith.extf %convert_element_type3A_532 : vector<96x3136xbf16> to vector<96x3136xf32>
    %sub3A_534 = arith.subf %add3A_531, %convert_element_type3A_533 : vector<96x3136xf32>
    %convert_element_type3A_535 = arith.truncf %sub3A_534 : vector<96x3136xf32> to vector<96x3136xbf16>
    %convert_element_type3A_536 = arith.extf %convert_element_type3A_535 : vector<96x3136xbf16> to vector<96x3136xf32>
    %sub3A_537 = arith.subf %sub3A_534, %convert_element_type3A_536 : vector<96x3136xf32>
    %convert_element_type3A_538 = arith.truncf %sub3A_537 : vector<96x3136xf32> to vector<96x3136xbf16>
    %dot_general3A_539 = arith.constant dense<0.000000e+00> : vector<96x49xf32>
    %dot_general3A_540 = tpu.matmul %convert_element_type3A_532, %get3A_8, %dot_general3A_539 {dimension_numbers = #tpu.dot_dimension_numbers<[1], [0], [0], [1], [0, 0, 1, 1], [], []>, transpose_lhs_hint = false} : vector<96x3136xbf16>, vector<3136x49xbf16>, vector<96x49xf32> -> vector<96x49xf32>
    %dot_general3A_541 = arith.constant dense<0.000000e+00> : vector<96x49xf32>
    %dot_general3A_542 = tpu.matmul %convert_element_type3A_535, %get3A_8, %dot_general3A_541 {dimension_numbers = #tpu.dot_dimension_numbers<[1], [0], [0], [1], [0, 0, 1, 1], [], []>, transpose_lhs_hint = false} : vector<96x3136xbf16>, vector<3136x49xbf16>, vector<96x49xf32> -> vector<96x49xf32>
    %add3A_543 = arith.addf %dot_general3A_540, %dot_general3A_542 : vector<96x49xf32>
    %dot_general3A_544 = arith.constant dense<0.000000e+00> : vector<96x49xf32>
    %dot_general3A_545 = tpu.matmul %convert_element_type3A_538, %get3A_8, %dot_general3A_544 {dimension_numbers = #tpu.dot_dimension_numbers<[1], [0], [0], [1], [0, 0, 1, 1], [], []>, transpose_lhs_hint = false} : vector<96x3136xbf16>, vector<3136x49xbf16>, vector<96x49xf32> -> vector<96x49xf32>
    %add3A_546 = arith.addf %add3A_543, %dot_general3A_545 : vector<96x49xf32>
    %slice3A_547 = vector.extract_strided_slice %add3A_531 {offsets = [0, 0], sizes = [48, 3136], strides = [1, 1]} : vector<96x3136xf32> to vector<48x3136xf32>
    %slice3A_548 = vector.extract_strided_slice %add3A_531 {offsets = [48, 0], sizes = [48, 3136], strides = [1, 1]} : vector<96x3136xf32> to vector<48x3136xf32>
    %slice3A_549 = vector.extract_strided_slice %add3A_546 {offsets = [0, 0], sizes = [48, 49], strides = [1, 1]} : vector<96x49xf32> to vector<48x49xf32>
    %slice3A_550 = vector.extract_strided_slice %add3A_546 {offsets = [48, 0], sizes = [48, 49], strides = [1, 1]} : vector<96x49xf32> to vector<48x49xf32>
    %mul3A_551 = arith.mulf %slice3A_547, %slice3A_547 : vector<48x3136xf32>
    %reduce_sum3A_552 = arith.constant dense<0.000000e+00> : vector<3136xf32>
    %reduce_sum3A_553 = vector.multi_reduction <add>, %mul3A_551, %reduce_sum3A_552 [0] : vector<48x3136xf32> to vector<3136xf32>
    %broadcast_in_dim3A_554 = vector.shape_cast %reduce_sum3A_553 : vector<3136xf32> to vector<1x3136xf32>
    %sqrt3A_555 = math.sqrt %broadcast_in_dim3A_554 : vector<1x3136xf32>
    %max3A_556 = arith.constant 9.99999996E-13 : f32
    %max3A_557 = vector.broadcast %max3A_556 : f32 to vector<1x3136xf32>
    %max3A_558 = arith.maximumf %sqrt3A_555, %max3A_557 : vector<1x3136xf32>
    %div3A_559 = vector.broadcast %max3A_558 : vector<1x3136xf32> to vector<48x3136xf32>
    %div3A_560 = arith.divf %slice3A_547, %div3A_559 : vector<48x3136xf32>
    %mul3A_561 = arith.mulf %slice3A_549, %slice3A_549 : vector<48x49xf32>
    %reduce_sum3A_562 = arith.constant dense<0.000000e+00> : vector<49xf32>
    %reduce_sum3A_563 = vector.multi_reduction <add>, %mul3A_561, %reduce_sum3A_562 [0] : vector<48x49xf32> to vector<49xf32>
    %broadcast_in_dim3A_564 = vector.shape_cast %reduce_sum3A_563 : vector<49xf32> to vector<1x49xf32>
    %sqrt3A_565 = math.sqrt %broadcast_in_dim3A_564 : vector<1x49xf32>
    %max3A_566 = arith.constant 9.99999996E-13 : f32
    %max3A_567 = vector.broadcast %max3A_566 : f32 to vector<1x49xf32>
    %max3A_568 = arith.maximumf %sqrt3A_565, %max3A_567 : vector<1x49xf32>
    %div3A_569 = vector.broadcast %max3A_568 : vector<1x49xf32> to vector<48x49xf32>
    %div3A_570 = arith.divf %slice3A_549, %div3A_569 : vector<48x49xf32>
    %convert_element_type3A_571 = arith.truncf %div3A_570 : vector<48x49xf32> to vector<48x49xbf16>
    %convert_element_type3A_572 = arith.truncf %div3A_560 : vector<48x3136xf32> to vector<48x3136xbf16>
    %dot_general3A_573 = arith.constant dense<0.000000e+00> : vector<49x3136xf32>
    %dot_general3A_574 = tpu.matmul %convert_element_type3A_571, %convert_element_type3A_572, %dot_general3A_573 {dimension_numbers = #tpu.dot_dimension_numbers<[0], [0], [1], [1], [0, 1, 1, 1], [], []>, transpose_lhs_hint = false} : vector<48x49xbf16>, vector<48x3136xbf16>, vector<49x3136xf32> -> vector<49x3136xf32>
    %mul3A_575 = vector.broadcast %get3A_11 : f32 to vector<49x3136xf32>
    %mul3A_576 = arith.mulf %mul3A_575, %dot_general3A_574 : vector<49x3136xf32>
    %add3A_577 = vector.broadcast %get3A_14 : f32 to vector<49x3136xf32>
    %add3A_578 = arith.addf %mul3A_576, %add3A_577 : vector<49x3136xf32>
    %logistic3A_579 = arith.negf %add3A_578 : vector<49x3136xf32>
    %logistic3A_580 = math.exp %logistic3A_579 : vector<49x3136xf32>
    %logistic3A_581 = arith.constant 1.000000e+00 : f32
    %logistic3A_582 = vector.broadcast %logistic3A_581 : f32 to vector<49x3136xf32>
    %logistic3A_583 = arith.addf %logistic3A_582, %logistic3A_580 : vector<49x3136xf32>
    %logistic3A_584 = arith.divf %logistic3A_582, %logistic3A_583 : vector<49x3136xf32>
    %reduce_max3A_585 = arith.constant dense<0xFF800000> : vector<3136xf32>
    %reduce_max3A_586 = vector.multi_reduction <maximumf>, %logistic3A_584, %reduce_max3A_585 [0] : vector<49x3136xf32> to vector<3136xf32>
    %broadcast_in_dim3A_587 = vector.shape_cast %reduce_max3A_586 : vector<3136xf32> to vector<1x3136xf32>
    %ge3A_588 = vector.broadcast %broadcast_in_dim3A_587 : vector<1x3136xf32> to vector<49x3136xf32>
    %ge3A_589 = arith.cmpf oge, %logistic3A_584, %ge3A_588 : vector<49x3136xf32>
    %convert_element_type3A_590 = arith.extui %ge3A_589 : vector<49x3136xi1> to vector<49x3136xi32>
    %convert_element_type3A_591 = arith.sitofp %convert_element_type3A_590 : vector<49x3136xi32> to vector<49x3136xf32>
    %convert_element_type3A_592 = arith.truncf %convert_element_type3A_591 : vector<49x3136xf32> to vector<49x3136xbf16>
    %dot_general3A_593 = arith.constant dense<0.000000e+00> : vector<49x3136xf32>
    %dot_general3A_594 = tpu.matmul %convert_element_type3A_18, %convert_element_type3A_592, %dot_general3A_593 {dimension_numbers = #tpu.dot_dimension_numbers<[1], [0], [0], [1], [0, 0, 1, 1], [], []>, transpose_lhs_hint = false} : vector<49x49xbf16>, vector<49x3136xbf16>, vector<49x3136xf32> -> vector<49x3136xf32>
    %eq3A_595 = arith.constant 1.000000e+00 : f32
    %eq3A_596 = vector.broadcast %eq3A_595 : f32 to vector<49x3136xf32>
    %eq3A_597 = arith.cmpf oeq, %dot_general3A_594, %eq3A_596 : vector<49x3136xf32>
    %jit3A_598 = arith.constant 0.000000e+00 : f32
    %broadcast_in_dim3A_599 = vector.broadcast %jit3A_598 : f32 to vector<49x3136xf32>
    %select_n3A_600 = arith.select %eq3A_597, %convert_element_type3A_591, %broadcast_in_dim3A_599 : vector<49x3136xi1>, vector<49x3136xf32>
    %mul3A_601 = vector.broadcast %broadcast_in_dim3A_587 : vector<1x3136xf32> to vector<49x3136xf32>
    %mul3A_602 = arith.mulf %select_n3A_600, %mul3A_601 : vector<49x3136xf32>
    %broadcast_in_dim3A_603 = arith.constant 1.000000e+00 : f32
    %broadcast_in_dim3A_604 = vector.broadcast %broadcast_in_dim3A_603 : f32 to vector<1x3136xf32>
    %concatenate3A_605 = tpu.concatenate %slice3A_548, %broadcast_in_dim3A_604 in 0 : vector<48x3136xf32>, vector<1x3136xf32> -> vector<49x3136xf32>
    %convert_element_type3A_606 = arith.truncf %concatenate3A_605 : vector<49x3136xf32> to vector<49x3136xbf16>
    %convert_element_type3A_607 = arith.extf %convert_element_type3A_606 : vector<49x3136xbf16> to vector<49x3136xf32>
    %sub3A_608 = arith.subf %concatenate3A_605, %convert_element_type3A_607 : vector<49x3136xf32>
    %convert_element_type3A_609 = arith.truncf %sub3A_608 : vector<49x3136xf32> to vector<49x3136xbf16>
    %convert_element_type3A_610 = arith.truncf %mul3A_602 : vector<49x3136xf32> to vector<49x3136xbf16>
    %convert_element_type3A_611 = arith.extf %convert_element_type3A_610 : vector<49x3136xbf16> to vector<49x3136xf32>
    %sub3A_612 = arith.subf %mul3A_602, %convert_element_type3A_611 : vector<49x3136xf32>
    %convert_element_type3A_613 = arith.truncf %sub3A_612 : vector<49x3136xf32> to vector<49x3136xbf16>
    %dot_general3A_614 = arith.constant dense<0.000000e+00> : vector<49x49xf32>
    %dot_general3A_615 = tpu.matmul %convert_element_type3A_606, %convert_element_type3A_610, %dot_general3A_614 {dimension_numbers = #tpu.dot_dimension_numbers<[1], [1], [0], [0], [0, 0, 1, 0], [], []>, transpose_lhs_hint = false} : vector<49x3136xbf16>, vector<49x3136xbf16>, vector<49x49xf32> -> vector<49x49xf32>
    %dot_general3A_616 = arith.constant dense<0.000000e+00> : vector<49x49xf32>
    %dot_general3A_617 = tpu.matmul %convert_element_type3A_606, %convert_element_type3A_613, %dot_general3A_616 {dimension_numbers = #tpu.dot_dimension_numbers<[1], [1], [0], [0], [0, 0, 1, 0], [], []>, transpose_lhs_hint = false} : vector<49x3136xbf16>, vector<49x3136xbf16>, vector<49x49xf32> -> vector<49x49xf32>
    %add3A_618 = arith.addf %dot_general3A_615, %dot_general3A_617 : vector<49x49xf32>
    %dot_general3A_619 = arith.constant dense<0.000000e+00> : vector<49x49xf32>
    %dot_general3A_620 = tpu.matmul %convert_element_type3A_609, %convert_element_type3A_610, %dot_general3A_619 {dimension_numbers = #tpu.dot_dimension_numbers<[1], [1], [0], [0], [0, 0, 1, 0], [], []>, transpose_lhs_hint = false} : vector<49x3136xbf16>, vector<49x3136xbf16>, vector<49x49xf32> -> vector<49x49xf32>
    %add3A_621 = arith.addf %add3A_618, %dot_general3A_620 : vector<49x49xf32>
    %slice3A_622 = vector.extract_strided_slice %add3A_621 {offsets = [0, 0], sizes = [48, 49], strides = [1, 1]} : vector<49x49xf32> to vector<48x49xf32>
    %add3A_623 = arith.addf %slice3A_550, %slice3A_622 : vector<48x49xf32>
    %slice3A_624 = vector.extract_strided_slice %add3A_621 {offsets = [48, 0], sizes = [1, 49], strides = [1, 1]} : vector<49x49xf32> to vector<1x49xf32>
    %add3A_625 = arith.constant 1.000000e+00 : f32
    %add3A_626 = vector.broadcast %add3A_625 : f32 to vector<1x49xf32>
    %add3A_627 = arith.addf %add3A_626, %slice3A_624 : vector<1x49xf32>
    %div3A_628 = vector.broadcast %add3A_627 : vector<1x49xf32> to vector<48x49xf32>
    %div3A_629 = arith.divf %add3A_623, %div3A_628 : vector<48x49xf32>
    %convert_element_type3A_630 = arith.truncf %div3A_629 : vector<48x49xf32> to vector<48x49xbf16>
    %convert_element_type3A_631 = arith.extf %convert_element_type3A_630 : vector<48x49xbf16> to vector<48x49xf32>
    %sub3A_632 = arith.subf %div3A_629, %convert_element_type3A_631 : vector<48x49xf32>
    %convert_element_type3A_633 = arith.truncf %sub3A_632 : vector<48x49xf32> to vector<48x49xbf16>
    %convert_element_type3A_634 = arith.truncf %mul3A_602 : vector<49x3136xf32> to vector<49x3136xbf16>
    %convert_element_type3A_635 = arith.extf %convert_element_type3A_634 : vector<49x3136xbf16> to vector<49x3136xf32>
    %sub3A_636 = arith.subf %mul3A_602, %convert_element_type3A_635 : vector<49x3136xf32>
    %convert_element_type3A_637 = arith.truncf %sub3A_636 : vector<49x3136xf32> to vector<49x3136xbf16>
    %dot_general3A_638 = arith.constant dense<0.000000e+00> : vector<48x3136xf32>
    %dot_general3A_639 = tpu.matmul %convert_element_type3A_630, %convert_element_type3A_634, %dot_general3A_638 {dimension_numbers = #tpu.dot_dimension_numbers<[1], [0], [0], [1], [0, 0, 1, 1], [], []>, transpose_lhs_hint = false} : vector<48x49xbf16>, vector<49x3136xbf16>, vector<48x3136xf32> -> vector<48x3136xf32>
    %dot_general3A_640 = arith.constant dense<0.000000e+00> : vector<48x3136xf32>
    %dot_general3A_641 = tpu.matmul %convert_element_type3A_630, %convert_element_type3A_637, %dot_general3A_640 {dimension_numbers = #tpu.dot_dimension_numbers<[1], [0], [0], [1], [0, 0, 1, 1], [], []>, transpose_lhs_hint = false} : vector<48x49xbf16>, vector<49x3136xbf16>, vector<48x3136xf32> -> vector<48x3136xf32>
    %add3A_642 = arith.addf %dot_general3A_639, %dot_general3A_641 : vector<48x3136xf32>
    %dot_general3A_643 = arith.constant dense<0.000000e+00> : vector<48x3136xf32>
    %dot_general3A_644 = tpu.matmul %convert_element_type3A_633, %convert_element_type3A_634, %dot_general3A_643 {dimension_numbers = #tpu.dot_dimension_numbers<[1], [0], [0], [1], [0, 0, 1, 1], [], []>, transpose_lhs_hint = false} : vector<48x49xbf16>, vector<49x3136xbf16>, vector<48x3136xf32> -> vector<48x3136xf32>
    %add3A_645 = arith.addf %add3A_642, %dot_general3A_644 : vector<48x3136xf32>
    %convert_element_type3A_646 = arith.truncf %add3A_645 : vector<48x3136xf32> to vector<48x3136xbf16>
    %swap3A_647 = arith.constant 192 : index
    %swap3A_648 = arith.constant 0 : index
    %swap3A_649 = vector.load %arg14[%swap3A_647, %swap3A_648] : memref<384x3136xbf16, #tpu.memory_space<vmem>>, vector<48x3136xbf16>
    tpu.vector_store %arg14[%swap3A_647, %swap3A_648], %convert_element_type3A_646 {strides = array<i32>} : memref<384x3136xbf16, #tpu.memory_space<vmem>>, vector<48x3136xbf16>,
    %get3A_650 = arith.constant 480 : index
    %get3A_651 = arith.constant 0 : index
    %get3A_652 = vector.load %arg6[%get3A_650, %get3A_651] : memref<768x384xf32, #tpu.memory_space<vmem>>, vector<96x384xf32>
    %get3A_653 = arith.constant 480 : index
    %get3A_654 = arith.constant 0 : index
    %get3A_655 = vector.load %arg7[%get3A_653, %get3A_654] : memref<768x1xf32, #tpu.memory_space<vmem>>, vector<96x1xf32>
    %convert_element_type3A_656 = arith.truncf %get3A_652 : vector<96x384xf32> to vector<96x384xbf16>
    %dot_general3A_657 = arith.constant dense<0.000000e+00> : vector<96x3136xf32>
    %dot_general3A_658 = tpu.matmul %convert_element_type3A_656, %convert_element_type3A, %dot_general3A_657 {dimension_numbers = #tpu.dot_dimension_numbers<[1], [0], [0], [1], [0, 0, 1, 1], [], []>, transpose_lhs_hint = false} : vector<96x384xbf16>, vector<384x3136xbf16>, vector<96x3136xf32> -> vector<96x3136xf32>
    %add3A_659 = vector.broadcast %get3A_655 : vector<96x1xf32> to vector<96x3136xf32>
    %add3A_660 = arith.addf %dot_general3A_658, %add3A_659 : vector<96x3136xf32>
    %convert_element_type3A_661 = arith.truncf %add3A_660 : vector<96x3136xf32> to vector<96x3136xbf16>
    %convert_element_type3A_662 = arith.extf %convert_element_type3A_661 : vector<96x3136xbf16> to vector<96x3136xf32>
    %sub3A_663 = arith.subf %add3A_660, %convert_element_type3A_662 : vector<96x3136xf32>
    %convert_element_type3A_664 = arith.truncf %sub3A_663 : vector<96x3136xf32> to vector<96x3136xbf16>
    %convert_element_type3A_665 = arith.extf %convert_element_type3A_664 : vector<96x3136xbf16> to vector<96x3136xf32>
    %sub3A_666 = arith.subf %sub3A_663, %convert_element_type3A_665 : vector<96x3136xf32>
    %convert_element_type3A_667 = arith.truncf %sub3A_666 : vector<96x3136xf32> to vector<96x3136xbf16>
    %dot_general3A_668 = arith.constant dense<0.000000e+00> : vector<96x49xf32>
    %dot_general3A_669 = tpu.matmul %convert_element_type3A_661, %get3A_8, %dot_general3A_668 {dimension_numbers = #tpu.dot_dimension_numbers<[1], [0], [0], [1], [0, 0, 1, 1], [], []>, transpose_lhs_hint = false} : vector<96x3136xbf16>, vector<3136x49xbf16>, vector<96x49xf32> -> vector<96x49xf32>
    %dot_general3A_670 = arith.constant dense<0.000000e+00> : vector<96x49xf32>
    %dot_general3A_671 = tpu.matmul %convert_element_type3A_664, %get3A_8, %dot_general3A_670 {dimension_numbers = #tpu.dot_dimension_numbers<[1], [0], [0], [1], [0, 0, 1, 1], [], []>, transpose_lhs_hint = false} : vector<96x3136xbf16>, vector<3136x49xbf16>, vector<96x49xf32> -> vector<96x49xf32>
    %add3A_672 = arith.addf %dot_general3A_669, %dot_general3A_671 : vector<96x49xf32>
    %dot_general3A_673 = arith.constant dense<0.000000e+00> : vector<96x49xf32>
    %dot_general3A_674 = tpu.matmul %convert_element_type3A_667, %get3A_8, %dot_general3A_673 {dimension_numbers = #tpu.dot_dimension_numbers<[1], [0], [0], [1], [0, 0, 1, 1], [], []>, transpose_lhs_hint = false} : vector<96x3136xbf16>, vector<3136x49xbf16>, vector<96x49xf32> -> vector<96x49xf32>
    %add3A_675 = arith.addf %add3A_672, %dot_general3A_674 : vector<96x49xf32>
    %slice3A_676 = vector.extract_strided_slice %add3A_660 {offsets = [0, 0], sizes = [48, 3136], strides = [1, 1]} : vector<96x3136xf32> to vector<48x3136xf32>
    %slice3A_677 = vector.extract_strided_slice %add3A_660 {offsets = [48, 0], sizes = [48, 3136], strides = [1, 1]} : vector<96x3136xf32> to vector<48x3136xf32>
    %slice3A_678 = vector.extract_strided_slice %add3A_675 {offsets = [0, 0], sizes = [48, 49], strides = [1, 1]} : vector<96x49xf32> to vector<48x49xf32>
    %slice3A_679 = vector.extract_strided_slice %add3A_675 {offsets = [48, 0], sizes = [48, 49], strides = [1, 1]} : vector<96x49xf32> to vector<48x49xf32>
    %mul3A_680 = arith.mulf %slice3A_676, %slice3A_676 : vector<48x3136xf32>
    %reduce_sum3A_681 = arith.constant dense<0.000000e+00> : vector<3136xf32>
    %reduce_sum3A_682 = vector.multi_reduction <add>, %mul3A_680, %reduce_sum3A_681 [0] : vector<48x3136xf32> to vector<3136xf32>
    %broadcast_in_dim3A_683 = vector.shape_cast %reduce_sum3A_682 : vector<3136xf32> to vector<1x3136xf32>
    %sqrt3A_684 = math.sqrt %broadcast_in_dim3A_683 : vector<1x3136xf32>
    %max3A_685 = arith.constant 9.99999996E-13 : f32
    %max3A_686 = vector.broadcast %max3A_685 : f32 to vector<1x3136xf32>
    %max3A_687 = arith.maximumf %sqrt3A_684, %max3A_686 : vector<1x3136xf32>
    %div3A_688 = vector.broadcast %max3A_687 : vector<1x3136xf32> to vector<48x3136xf32>
    %div3A_689 = arith.divf %slice3A_676, %div3A_688 : vector<48x3136xf32>
    %mul3A_690 = arith.mulf %slice3A_678, %slice3A_678 : vector<48x49xf32>
    %reduce_sum3A_691 = arith.constant dense<0.000000e+00> : vector<49xf32>
    %reduce_sum3A_692 = vector.multi_reduction <add>, %mul3A_690, %reduce_sum3A_691 [0] : vector<48x49xf32> to vector<49xf32>
    %broadcast_in_dim3A_693 = vector.shape_cast %reduce_sum3A_692 : vector<49xf32> to vector<1x49xf32>
    %sqrt3A_694 = math.sqrt %broadcast_in_dim3A_693 : vector<1x49xf32>
    %max3A_695 = arith.constant 9.99999996E-13 : f32
    %max3A_696 = vector.broadcast %max3A_695 : f32 to vector<1x49xf32>
    %max3A_697 = arith.maximumf %sqrt3A_694, %max3A_696 : vector<1x49xf32>
    %div3A_698 = vector.broadcast %max3A_697 : vector<1x49xf32> to vector<48x49xf32>
    %div3A_699 = arith.divf %slice3A_678, %div3A_698 : vector<48x49xf32>
    %convert_element_type3A_700 = arith.truncf %div3A_699 : vector<48x49xf32> to vector<48x49xbf16>
    %convert_element_type3A_701 = arith.truncf %div3A_689 : vector<48x3136xf32> to vector<48x3136xbf16>
    %dot_general3A_702 = arith.constant dense<0.000000e+00> : vector<49x3136xf32>
    %dot_general3A_703 = tpu.matmul %convert_element_type3A_700, %convert_element_type3A_701, %dot_general3A_702 {dimension_numbers = #tpu.dot_dimension_numbers<[0], [0], [1], [1], [0, 1, 1, 1], [], []>, transpose_lhs_hint = false} : vector<48x49xbf16>, vector<48x3136xbf16>, vector<49x3136xf32> -> vector<49x3136xf32>
    %mul3A_704 = vector.broadcast %get3A_11 : f32 to vector<49x3136xf32>
    %mul3A_705 = arith.mulf %mul3A_704, %dot_general3A_703 : vector<49x3136xf32>
    %add3A_706 = vector.broadcast %get3A_14 : f32 to vector<49x3136xf32>
    %add3A_707 = arith.addf %mul3A_705, %add3A_706 : vector<49x3136xf32>
    %logistic3A_708 = arith.negf %add3A_707 : vector<49x3136xf32>
    %logistic3A_709 = math.exp %logistic3A_708 : vector<49x3136xf32>
    %logistic3A_710 = arith.constant 1.000000e+00 : f32
    %logistic3A_711 = vector.broadcast %logistic3A_710 : f32 to vector<49x3136xf32>
    %logistic3A_712 = arith.addf %logistic3A_711, %logistic3A_709 : vector<49x3136xf32>
    %logistic3A_713 = arith.divf %logistic3A_711, %logistic3A_712 : vector<49x3136xf32>
    %reduce_max3A_714 = arith.constant dense<0xFF800000> : vector<3136xf32>
    %reduce_max3A_715 = vector.multi_reduction <maximumf>, %logistic3A_713, %reduce_max3A_714 [0] : vector<49x3136xf32> to vector<3136xf32>
    %broadcast_in_dim3A_716 = vector.shape_cast %reduce_max3A_715 : vector<3136xf32> to vector<1x3136xf32>
    %ge3A_717 = vector.broadcast %broadcast_in_dim3A_716 : vector<1x3136xf32> to vector<49x3136xf32>
    %ge3A_718 = arith.cmpf oge, %logistic3A_713, %ge3A_717 : vector<49x3136xf32>
    %convert_element_type3A_719 = arith.extui %ge3A_718 : vector<49x3136xi1> to vector<49x3136xi32>
    %convert_element_type3A_720 = arith.sitofp %convert_element_type3A_719 : vector<49x3136xi32> to vector<49x3136xf32>
    %convert_element_type3A_721 = arith.truncf %convert_element_type3A_720 : vector<49x3136xf32> to vector<49x3136xbf16>
    %dot_general3A_722 = arith.constant dense<0.000000e+00> : vector<49x3136xf32>
    %dot_general3A_723 = tpu.matmul %convert_element_type3A_18, %convert_element_type3A_721, %dot_general3A_722 {dimension_numbers = #tpu.dot_dimension_numbers<[1], [0], [0], [1], [0, 0, 1, 1], [], []>, transpose_lhs_hint = false} : vector<49x49xbf16>, vector<49x3136xbf16>, vector<49x3136xf32> -> vector<49x3136xf32>
    %eq3A_724 = arith.constant 1.000000e+00 : f32
    %eq3A_725 = vector.broadcast %eq3A_724 : f32 to vector<49x3136xf32>
    %eq3A_726 = arith.cmpf oeq, %dot_general3A_723, %eq3A_725 : vector<49x3136xf32>
    %jit3A_727 = arith.constant 0.000000e+00 : f32
    %broadcast_in_dim3A_728 = vector.broadcast %jit3A_727 : f32 to vector<49x3136xf32>
    %select_n3A_729 = arith.select %eq3A_726, %convert_element_type3A_720, %broadcast_in_dim3A_728 : vector<49x3136xi1>, vector<49x3136xf32>
    %mul3A_730 = vector.broadcast %broadcast_in_dim3A_716 : vector<1x3136xf32> to vector<49x3136xf32>
    %mul3A_731 = arith.mulf %select_n3A_729, %mul3A_730 : vector<49x3136xf32>
    %broadcast_in_dim3A_732 = arith.constant 1.000000e+00 : f32
    %broadcast_in_dim3A_733 = vector.broadcast %broadcast_in_dim3A_732 : f32 to vector<1x3136xf32>
    %concatenate3A_734 = tpu.concatenate %slice3A_677, %broadcast_in_dim3A_733 in 0 : vector<48x3136xf32>, vector<1x3136xf32> -> vector<49x3136xf32>
    %convert_element_type3A_735 = arith.truncf %concatenate3A_734 : vector<49x3136xf32> to vector<49x3136xbf16>
    %convert_element_type3A_736 = arith.extf %convert_element_type3A_735 : vector<49x3136xbf16> to vector<49x3136xf32>
    %sub3A_737 = arith.subf %concatenate3A_734, %convert_element_type3A_736 : vector<49x3136xf32>
    %convert_element_type3A_738 = arith.truncf %sub3A_737 : vector<49x3136xf32> to vector<49x3136xbf16>
    %convert_element_type3A_739 = arith.truncf %mul3A_731 : vector<49x3136xf32> to vector<49x3136xbf16>
    %convert_element_type3A_740 = arith.extf %convert_element_type3A_739 : vector<49x3136xbf16> to vector<49x3136xf32>
    %sub3A_741 = arith.subf %mul3A_731, %convert_element_type3A_740 : vector<49x3136xf32>
    %convert_element_type3A_742 = arith.truncf %sub3A_741 : vector<49x3136xf32> to vector<49x3136xbf16>
    %dot_general3A_743 = arith.constant dense<0.000000e+00> : vector<49x49xf32>
    %dot_general3A_744 = tpu.matmul %convert_element_type3A_735, %convert_element_type3A_739, %dot_general3A_743 {dimension_numbers = #tpu.dot_dimension_numbers<[1], [1], [0], [0], [0, 0, 1, 0], [], []>, transpose_lhs_hint = false} : vector<49x3136xbf16>, vector<49x3136xbf16>, vector<49x49xf32> -> vector<49x49xf32>
    %dot_general3A_745 = arith.constant dense<0.000000e+00> : vector<49x49xf32>
    %dot_general3A_746 = tpu.matmul %convert_element_type3A_735, %convert_element_type3A_742, %dot_general3A_745 {dimension_numbers = #tpu.dot_dimension_numbers<[1], [1], [0], [0], [0, 0, 1, 0], [], []>, transpose_lhs_hint = false} : vector<49x3136xbf16>, vector<49x3136xbf16>, vector<49x49xf32> -> vector<49x49xf32>
    %add3A_747 = arith.addf %dot_general3A_744, %dot_general3A_746 : vector<49x49xf32>
    %dot_general3A_748 = arith.constant dense<0.000000e+00> : vector<49x49xf32>
    %dot_general3A_749 = tpu.matmul %convert_element_type3A_738, %convert_element_type3A_739, %dot_general3A_748 {dimension_numbers = #tpu.dot_dimension_numbers<[1], [1], [0], [0], [0, 0, 1, 0], [], []>, transpose_lhs_hint = false} : vector<49x3136xbf16>, vector<49x3136xbf16>, vector<49x49xf32> -> vector<49x49xf32>
    %add3A_750 = arith.addf %add3A_747, %dot_general3A_749 : vector<49x49xf32>
    %slice3A_751 = vector.extract_strided_slice %add3A_750 {offsets = [0, 0], sizes = [48, 49], strides = [1, 1]} : vector<49x49xf32> to vector<48x49xf32>
    %add3A_752 = arith.addf %slice3A_679, %slice3A_751 : vector<48x49xf32>
    %slice3A_753 = vector.extract_strided_slice %add3A_750 {offsets = [48, 0], sizes = [1, 49], strides = [1, 1]} : vector<49x49xf32> to vector<1x49xf32>
    %add3A_754 = arith.constant 1.000000e+00 : f32
    %add3A_755 = vector.broadcast %add3A_754 : f32 to vector<1x49xf32>
    %add3A_756 = arith.addf %add3A_755, %slice3A_753 : vector<1x49xf32>
    %div3A_757 = vector.broadcast %add3A_756 : vector<1x49xf32> to vector<48x49xf32>
    %div3A_758 = arith.divf %add3A_752, %div3A_757 : vector<48x49xf32>
    %convert_element_type3A_759 = arith.truncf %div3A_758 : vector<48x49xf32> to vector<48x49xbf16>
    %convert_element_type3A_760 = arith.extf %convert_element_type3A_759 : vector<48x49xbf16> to vector<48x49xf32>
    %sub3A_761 = arith.subf %div3A_758, %convert_element_type3A_760 : vector<48x49xf32>
    %convert_element_type3A_762 = arith.truncf %sub3A_761 : vector<48x49xf32> to vector<48x49xbf16>
    %convert_element_type3A_763 = arith.truncf %mul3A_731 : vector<49x3136xf32> to vector<49x3136xbf16>
    %convert_element_type3A_764 = arith.extf %convert_element_type3A_763 : vector<49x3136xbf16> to vector<49x3136xf32>
    %sub3A_765 = arith.subf %mul3A_731, %convert_element_type3A_764 : vector<49x3136xf32>
    %convert_element_type3A_766 = arith.truncf %sub3A_765 : vector<49x3136xf32> to vector<49x3136xbf16>
    %dot_general3A_767 = arith.constant dense<0.000000e+00> : vector<48x3136xf32>
    %dot_general3A_768 = tpu.matmul %convert_element_type3A_759, %convert_element_type3A_763, %dot_general3A_767 {dimension_numbers = #tpu.dot_dimension_numbers<[1], [0], [0], [1], [0, 0, 1, 1], [], []>, transpose_lhs_hint = false} : vector<48x49xbf16>, vector<49x3136xbf16>, vector<48x3136xf32> -> vector<48x3136xf32>
    %dot_general3A_769 = arith.constant dense<0.000000e+00> : vector<48x3136xf32>
    %dot_general3A_770 = tpu.matmul %convert_element_type3A_759, %convert_element_type3A_766, %dot_general3A_769 {dimension_numbers = #tpu.dot_dimension_numbers<[1], [0], [0], [1], [0, 0, 1, 1], [], []>, transpose_lhs_hint = false} : vector<48x49xbf16>, vector<49x3136xbf16>, vector<48x3136xf32> -> vector<48x3136xf32>
    %add3A_771 = arith.addf %dot_general3A_768, %dot_general3A_770 : vector<48x3136xf32>
    %dot_general3A_772 = arith.constant dense<0.000000e+00> : vector<48x3136xf32>
    %dot_general3A_773 = tpu.matmul %convert_element_type3A_762, %convert_element_type3A_763, %dot_general3A_772 {dimension_numbers = #tpu.dot_dimension_numbers<[1], [0], [0], [1], [0, 0, 1, 1], [], []>, transpose_lhs_hint = false} : vector<48x49xbf16>, vector<49x3136xbf16>, vector<48x3136xf32> -> vector<48x3136xf32>
    %add3A_774 = arith.addf %add3A_771, %dot_general3A_773 : vector<48x3136xf32>
    %convert_element_type3A_775 = arith.truncf %add3A_774 : vector<48x3136xf32> to vector<48x3136xbf16>
    %swap3A_776 = arith.constant 240 : index
    %swap3A_777 = arith.constant 0 : index
    %swap3A_778 = vector.load %arg14[%swap3A_776, %swap3A_777] : memref<384x3136xbf16, #tpu.memory_space<vmem>>, vector<48x3136xbf16>
    tpu.vector_store %arg14[%swap3A_776, %swap3A_777], %convert_element_type3A_775 {strides = array<i32>} : memref<384x3136xbf16, #tpu.memory_space<vmem>>, vector<48x3136xbf16>,
    %get3A_779 = arith.constant 576 : index
    %get3A_780 = arith.constant 0 : index
    %get3A_781 = vector.load %arg6[%get3A_779, %get3A_780] : memref<768x384xf32, #tpu.memory_space<vmem>>, vector<96x384xf32>
    %get3A_782 = arith.constant 576 : index
    %get3A_783 = arith.constant 0 : index
    %get3A_784 = vector.load %arg7[%get3A_782, %get3A_783] : memref<768x1xf32, #tpu.memory_space<vmem>>, vector<96x1xf32>
    %convert_element_type3A_785 = arith.truncf %get3A_781 : vector<96x384xf32> to vector<96x384xbf16>
    %dot_general3A_786 = arith.constant dense<0.000000e+00> : vector<96x3136xf32>
    %dot_general3A_787 = tpu.matmul %convert_element_type3A_785, %convert_element_type3A, %dot_general3A_786 {dimension_numbers = #tpu.dot_dimension_numbers<[1], [0], [0], [1], [0, 0, 1, 1], [], []>, transpose_lhs_hint = false} : vector<96x384xbf16>, vector<384x3136xbf16>, vector<96x3136xf32> -> vector<96x3136xf32>
    %add3A_788 = vector.broadcast %get3A_784 : vector<96x1xf32> to vector<96x3136xf32>
    %add3A_789 = arith.addf %dot_general3A_787, %add3A_788 : vector<96x3136xf32>
    %convert_element_type3A_790 = arith.truncf %add3A_789 : vector<96x3136xf32> to vector<96x3136xbf16>
    %convert_element_type3A_791 = arith.extf %convert_element_type3A_790 : vector<96x3136xbf16> to vector<96x3136xf32>
    %sub3A_792 = arith.subf %add3A_789, %convert_element_type3A_791 : vector<96x3136xf32>
    %convert_element_type3A_793 = arith.truncf %sub3A_792 : vector<96x3136xf32> to vector<96x3136xbf16>
    %convert_element_type3A_794 = arith.extf %convert_element_type3A_793 : vector<96x3136xbf16> to vector<96x3136xf32>
    %sub3A_795 = arith.subf %sub3A_792, %convert_element_type3A_794 : vector<96x3136xf32>
    %convert_element_type3A_796 = arith.truncf %sub3A_795 : vector<96x3136xf32> to vector<96x3136xbf16>
    %dot_general3A_797 = arith.constant dense<0.000000e+00> : vector<96x49xf32>
    %dot_general3A_798 = tpu.matmul %convert_element_type3A_790, %get3A_8, %dot_general3A_797 {dimension_numbers = #tpu.dot_dimension_numbers<[1], [0], [0], [1], [0, 0, 1, 1], [], []>, transpose_lhs_hint = false} : vector<96x3136xbf16>, vector<3136x49xbf16>, vector<96x49xf32> -> vector<96x49xf32>
    %dot_general3A_799 = arith.constant dense<0.000000e+00> : vector<96x49xf32>
    %dot_general3A_800 = tpu.matmul %convert_element_type3A_793, %get3A_8, %dot_general3A_799 {dimension_numbers = #tpu.dot_dimension_numbers<[1], [0], [0], [1], [0, 0, 1, 1], [], []>, transpose_lhs_hint = false} : vector<96x3136xbf16>, vector<3136x49xbf16>, vector<96x49xf32> -> vector<96x49xf32>
    %add3A_801 = arith.addf %dot_general3A_798, %dot_general3A_800 : vector<96x49xf32>
    %dot_general3A_802 = arith.constant dense<0.000000e+00> : vector<96x49xf32>
    %dot_general3A_803 = tpu.matmul %convert_element_type3A_796, %get3A_8, %dot_general3A_802 {dimension_numbers = #tpu.dot_dimension_numbers<[1], [0], [0], [1], [0, 0, 1, 1], [], []>, transpose_lhs_hint = false} : vector<96x3136xbf16>, vector<3136x49xbf16>, vector<96x49xf32> -> vector<96x49xf32>
    %add3A_804 = arith.addf %add3A_801, %dot_general3A_803 : vector<96x49xf32>
    %slice3A_805 = vector.extract_strided_slice %add3A_789 {offsets = [0, 0], sizes = [48, 3136], strides = [1, 1]} : vector<96x3136xf32> to vector<48x3136xf32>
    %slice3A_806 = vector.extract_strided_slice %add3A_789 {offsets = [48, 0], sizes = [48, 3136], strides = [1, 1]} : vector<96x3136xf32> to vector<48x3136xf32>
    %slice3A_807 = vector.extract_strided_slice %add3A_804 {offsets = [0, 0], sizes = [48, 49], strides = [1, 1]} : vector<96x49xf32> to vector<48x49xf32>
    %slice3A_808 = vector.extract_strided_slice %add3A_804 {offsets = [48, 0], sizes = [48, 49], strides = [1, 1]} : vector<96x49xf32> to vector<48x49xf32>
    %mul3A_809 = arith.mulf %slice3A_805, %slice3A_805 : vector<48x3136xf32>
    %reduce_sum3A_810 = arith.constant dense<0.000000e+00> : vector<3136xf32>
    %reduce_sum3A_811 = vector.multi_reduction <add>, %mul3A_809, %reduce_sum3A_810 [0] : vector<48x3136xf32> to vector<3136xf32>
    %broadcast_in_dim3A_812 = vector.shape_cast %reduce_sum3A_811 : vector<3136xf32> to vector<1x3136xf32>
    %sqrt3A_813 = math.sqrt %broadcast_in_dim3A_812 : vector<1x3136xf32>
    %max3A_814 = arith.constant 9.99999996E-13 : f32
    %max3A_815 = vector.broadcast %max3A_814 : f32 to vector<1x3136xf32>
    %max3A_816 = arith.maximumf %sqrt3A_813, %max3A_815 : vector<1x3136xf32>
    %div3A_817 = vector.broadcast %max3A_816 : vector<1x3136xf32> to vector<48x3136xf32>
    %div3A_818 = arith.divf %slice3A_805, %div3A_817 : vector<48x3136xf32>
    %mul3A_819 = arith.mulf %slice3A_807, %slice3A_807 : vector<48x49xf32>
    %reduce_sum3A_820 = arith.constant dense<0.000000e+00> : vector<49xf32>
    %reduce_sum3A_821 = vector.multi_reduction <add>, %mul3A_819, %reduce_sum3A_820 [0] : vector<48x49xf32> to vector<49xf32>
    %broadcast_in_dim3A_822 = vector.shape_cast %reduce_sum3A_821 : vector<49xf32> to vector<1x49xf32>
    %sqrt3A_823 = math.sqrt %broadcast_in_dim3A_822 : vector<1x49xf32>
    %max3A_824 = arith.constant 9.99999996E-13 : f32
    %max3A_825 = vector.broadcast %max3A_824 : f32 to vector<1x49xf32>
    %max3A_826 = arith.maximumf %sqrt3A_823, %max3A_825 : vector<1x49xf32>
    %div3A_827 = vector.broadcast %max3A_826 : vector<1x49xf32> to vector<48x49xf32>
    %div3A_828 = arith.divf %slice3A_807, %div3A_827 : vector<48x49xf32>
    %convert_element_type3A_829 = arith.truncf %div3A_828 : vector<48x49xf32> to vector<48x49xbf16>
    %convert_element_type3A_830 = arith.truncf %div3A_818 : vector<48x3136xf32> to vector<48x3136xbf16>
    %dot_general3A_831 = arith.constant dense<0.000000e+00> : vector<49x3136xf32>
    %dot_general3A_832 = tpu.matmul %convert_element_type3A_829, %convert_element_type3A_830, %dot_general3A_831 {dimension_numbers = #tpu.dot_dimension_numbers<[0], [0], [1], [1], [0, 1, 1, 1], [], []>, transpose_lhs_hint = false} : vector<48x49xbf16>, vector<48x3136xbf16>, vector<49x3136xf32> -> vector<49x3136xf32>
    %mul3A_833 = vector.broadcast %get3A_11 : f32 to vector<49x3136xf32>
    %mul3A_834 = arith.mulf %mul3A_833, %dot_general3A_832 : vector<49x3136xf32>
    %add3A_835 = vector.broadcast %get3A_14 : f32 to vector<49x3136xf32>
    %add3A_836 = arith.addf %mul3A_834, %add3A_835 : vector<49x3136xf32>
    %logistic3A_837 = arith.negf %add3A_836 : vector<49x3136xf32>
    %logistic3A_838 = math.exp %logistic3A_837 : vector<49x3136xf32>
    %logistic3A_839 = arith.constant 1.000000e+00 : f32
    %logistic3A_840 = vector.broadcast %logistic3A_839 : f32 to vector<49x3136xf32>
    %logistic3A_841 = arith.addf %logistic3A_840, %logistic3A_838 : vector<49x3136xf32>
    %logistic3A_842 = arith.divf %logistic3A_840, %logistic3A_841 : vector<49x3136xf32>
    %reduce_max3A_843 = arith.constant dense<0xFF800000> : vector<3136xf32>
    %reduce_max3A_844 = vector.multi_reduction <maximumf>, %logistic3A_842, %reduce_max3A_843 [0] : vector<49x3136xf32> to vector<3136xf32>
    %broadcast_in_dim3A_845 = vector.shape_cast %reduce_max3A_844 : vector<3136xf32> to vector<1x3136xf32>
    %ge3A_846 = vector.broadcast %broadcast_in_dim3A_845 : vector<1x3136xf32> to vector<49x3136xf32>
    %ge3A_847 = arith.cmpf oge, %logistic3A_842, %ge3A_846 : vector<49x3136xf32>
    %convert_element_type3A_848 = arith.extui %ge3A_847 : vector<49x3136xi1> to vector<49x3136xi32>
    %convert_element_type3A_849 = arith.sitofp %convert_element_type3A_848 : vector<49x3136xi32> to vector<49x3136xf32>
    %convert_element_type3A_850 = arith.truncf %convert_element_type3A_849 : vector<49x3136xf32> to vector<49x3136xbf16>
    %dot_general3A_851 = arith.constant dense<0.000000e+00> : vector<49x3136xf32>
    %dot_general3A_852 = tpu.matmul %convert_element_type3A_18, %convert_element_type3A_850, %dot_general3A_851 {dimension_numbers = #tpu.dot_dimension_numbers<[1], [0], [0], [1], [0, 0, 1, 1], [], []>, transpose_lhs_hint = false} : vector<49x49xbf16>, vector<49x3136xbf16>, vector<49x3136xf32> -> vector<49x3136xf32>
    %eq3A_853 = arith.constant 1.000000e+00 : f32
    %eq3A_854 = vector.broadcast %eq3A_853 : f32 to vector<49x3136xf32>
    %eq3A_855 = arith.cmpf oeq, %dot_general3A_852, %eq3A_854 : vector<49x3136xf32>
    %jit3A_856 = arith.constant 0.000000e+00 : f32
    %broadcast_in_dim3A_857 = vector.broadcast %jit3A_856 : f32 to vector<49x3136xf32>
    %select_n3A_858 = arith.select %eq3A_855, %convert_element_type3A_849, %broadcast_in_dim3A_857 : vector<49x3136xi1>, vector<49x3136xf32>
    %mul3A_859 = vector.broadcast %broadcast_in_dim3A_845 : vector<1x3136xf32> to vector<49x3136xf32>
    %mul3A_860 = arith.mulf %select_n3A_858, %mul3A_859 : vector<49x3136xf32>
    %broadcast_in_dim3A_861 = arith.constant 1.000000e+00 : f32
    %broadcast_in_dim3A_862 = vector.broadcast %broadcast_in_dim3A_861 : f32 to vector<1x3136xf32>
    %concatenate3A_863 = tpu.concatenate %slice3A_806, %broadcast_in_dim3A_862 in 0 : vector<48x3136xf32>, vector<1x3136xf32> -> vector<49x3136xf32>
    %convert_element_type3A_864 = arith.truncf %concatenate3A_863 : vector<49x3136xf32> to vector<49x3136xbf16>
    %convert_element_type3A_865 = arith.extf %convert_element_type3A_864 : vector<49x3136xbf16> to vector<49x3136xf32>
    %sub3A_866 = arith.subf %concatenate3A_863, %convert_element_type3A_865 : vector<49x3136xf32>
    %convert_element_type3A_867 = arith.truncf %sub3A_866 : vector<49x3136xf32> to vector<49x3136xbf16>
    %convert_element_type3A_868 = arith.truncf %mul3A_860 : vector<49x3136xf32> to vector<49x3136xbf16>
    %convert_element_type3A_869 = arith.extf %convert_element_type3A_868 : vector<49x3136xbf16> to vector<49x3136xf32>
    %sub3A_870 = arith.subf %mul3A_860, %convert_element_type3A_869 : vector<49x3136xf32>
    %convert_element_type3A_871 = arith.truncf %sub3A_870 : vector<49x3136xf32> to vector<49x3136xbf16>
    %dot_general3A_872 = arith.constant dense<0.000000e+00> : vector<49x49xf32>
    %dot_general3A_873 = tpu.matmul %convert_element_type3A_864, %convert_element_type3A_868, %dot_general3A_872 {dimension_numbers = #tpu.dot_dimension_numbers<[1], [1], [0], [0], [0, 0, 1, 0], [], []>, transpose_lhs_hint = false} : vector<49x3136xbf16>, vector<49x3136xbf16>, vector<49x49xf32> -> vector<49x49xf32>
    %dot_general3A_874 = arith.constant dense<0.000000e+00> : vector<49x49xf32>
    %dot_general3A_875 = tpu.matmul %convert_element_type3A_864, %convert_element_type3A_871, %dot_general3A_874 {dimension_numbers = #tpu.dot_dimension_numbers<[1], [1], [0], [0], [0, 0, 1, 0], [], []>, transpose_lhs_hint = false} : vector<49x3136xbf16>, vector<49x3136xbf16>, vector<49x49xf32> -> vector<49x49xf32>
    %add3A_876 = arith.addf %dot_general3A_873, %dot_general3A_875 : vector<49x49xf32>
    %dot_general3A_877 = arith.constant dense<0.000000e+00> : vector<49x49xf32>
    %dot_general3A_878 = tpu.matmul %convert_element_type3A_867, %convert_element_type3A_868, %dot_general3A_877 {dimension_numbers = #tpu.dot_dimension_numbers<[1], [1], [0], [0], [0, 0, 1, 0], [], []>, transpose_lhs_hint = false} : vector<49x3136xbf16>, vector<49x3136xbf16>, vector<49x49xf32> -> vector<49x49xf32>
    %add3A_879 = arith.addf %add3A_876, %dot_general3A_878 : vector<49x49xf32>
    %slice3A_880 = vector.extract_strided_slice %add3A_879 {offsets = [0, 0], sizes = [48, 49], strides = [1, 1]} : vector<49x49xf32> to vector<48x49xf32>
    %add3A_881 = arith.addf %slice3A_808, %slice3A_880 : vector<48x49xf32>
    %slice3A_882 = vector.extract_strided_slice %add3A_879 {offsets = [48, 0], sizes = [1, 49], strides = [1, 1]} : vector<49x49xf32> to vector<1x49xf32>
    %add3A_883 = arith.constant 1.000000e+00 : f32
    %add3A_884 = vector.broadcast %add3A_883 : f32 to vector<1x49xf32>
    %add3A_885 = arith.addf %add3A_884, %slice3A_882 : vector<1x49xf32>
    %div3A_886 = vector.broadcast %add3A_885 : vector<1x49xf32> to vector<48x49xf32>
    %div3A_887 = arith.divf %add3A_881, %div3A_886 : vector<48x49xf32>
    %convert_element_type3A_888 = arith.truncf %div3A_887 : vector<48x49xf32> to vector<48x49xbf16>
    %convert_element_type3A_889 = arith.extf %convert_element_type3A_888 : vector<48x49xbf16> to vector<48x49xf32>
    %sub3A_890 = arith.subf %div3A_887, %convert_element_type3A_889 : vector<48x49xf32>
    %convert_element_type3A_891 = arith.truncf %sub3A_890 : vector<48x49xf32> to vector<48x49xbf16>
    %convert_element_type3A_892 = arith.truncf %mul3A_860 : vector<49x3136xf32> to vector<49x3136xbf16>
    %convert_element_type3A_893 = arith.extf %convert_element_type3A_892 : vector<49x3136xbf16> to vector<49x3136xf32>
    %sub3A_894 = arith.subf %mul3A_860, %convert_element_type3A_893 : vector<49x3136xf32>
    %convert_element_type3A_895 = arith.truncf %sub3A_894 : vector<49x3136xf32> to vector<49x3136xbf16>
    %dot_general3A_896 = arith.constant dense<0.000000e+00> : vector<48x3136xf32>
    %dot_general3A_897 = tpu.matmul %convert_element_type3A_888, %convert_element_type3A_892, %dot_general3A_896 {dimension_numbers = #tpu.dot_dimension_numbers<[1], [0], [0], [1], [0, 0, 1, 1], [], []>, transpose_lhs_hint = false} : vector<48x49xbf16>, vector<49x3136xbf16>, vector<48x3136xf32> -> vector<48x3136xf32>
    %dot_general3A_898 = arith.constant dense<0.000000e+00> : vector<48x3136xf32>
    %dot_general3A_899 = tpu.matmul %convert_element_type3A_888, %convert_element_type3A_895, %dot_general3A_898 {dimension_numbers = #tpu.dot_dimension_numbers<[1], [0], [0], [1], [0, 0, 1, 1], [], []>, transpose_lhs_hint = false} : vector<48x49xbf16>, vector<49x3136xbf16>, vector<48x3136xf32> -> vector<48x3136xf32>
    %add3A_900 = arith.addf %dot_general3A_897, %dot_general3A_899 : vector<48x3136xf32>
    %dot_general3A_901 = arith.constant dense<0.000000e+00> : vector<48x3136xf32>
    %dot_general3A_902 = tpu.matmul %convert_element_type3A_891, %convert_element_type3A_892, %dot_general3A_901 {dimension_numbers = #tpu.dot_dimension_numbers<[1], [0], [0], [1], [0, 0, 1, 1], [], []>, transpose_lhs_hint = false} : vector<48x49xbf16>, vector<49x3136xbf16>, vector<48x3136xf32> -> vector<48x3136xf32>
    %add3A_903 = arith.addf %add3A_900, %dot_general3A_902 : vector<48x3136xf32>
    %convert_element_type3A_904 = arith.truncf %add3A_903 : vector<48x3136xf32> to vector<48x3136xbf16>
    %swap3A_905 = arith.constant 288 : index
    %swap3A_906 = arith.constant 0 : index
    %swap3A_907 = vector.load %arg14[%swap3A_905, %swap3A_906] : memref<384x3136xbf16, #tpu.memory_space<vmem>>, vector<48x3136xbf16>
    tpu.vector_store %arg14[%swap3A_905, %swap3A_906], %convert_element_type3A_904 {strides = array<i32>} : memref<384x3136xbf16, #tpu.memory_space<vmem>>, vector<48x3136xbf16>,
    %get3A_908 = arith.constant 672 : index
    %get3A_909 = arith.constant 0 : index
    %get3A_910 = vector.load %arg6[%get3A_908, %get3A_909] : memref<768x384xf32, #tpu.memory_space<vmem>>, vector<96x384xf32>
    %get3A_911 = arith.constant 672 : index
    %get3A_912 = arith.constant 0 : index
    %get3A_913 = vector.load %arg7[%get3A_911, %get3A_912] : memref<768x1xf32, #tpu.memory_space<vmem>>, vector<96x1xf32>
    %convert_element_type3A_914 = arith.truncf %get3A_910 : vector<96x384xf32> to vector<96x384xbf16>
    %dot_general3A_915 = arith.constant dense<0.000000e+00> : vector<96x3136xf32>
    %dot_general3A_916 = tpu.matmul %convert_element_type3A_914, %convert_element_type3A, %dot_general3A_915 {dimension_numbers = #tpu.dot_dimension_numbers<[1], [0], [0], [1], [0, 0, 1, 1], [], []>, transpose_lhs_hint = false} : vector<96x384xbf16>, vector<384x3136xbf16>, vector<96x3136xf32> -> vector<96x3136xf32>
    %add3A_917 = vector.broadcast %get3A_913 : vector<96x1xf32> to vector<96x3136xf32>
    %add3A_918 = arith.addf %dot_general3A_916, %add3A_917 : vector<96x3136xf32>
    %convert_element_type3A_919 = arith.truncf %add3A_918 : vector<96x3136xf32> to vector<96x3136xbf16>
    %convert_element_type3A_920 = arith.extf %convert_element_type3A_919 : vector<96x3136xbf16> to vector<96x3136xf32>
    %sub3A_921 = arith.subf %add3A_918, %convert_element_type3A_920 : vector<96x3136xf32>
    %convert_element_type3A_922 = arith.truncf %sub3A_921 : vector<96x3136xf32> to vector<96x3136xbf16>
    %convert_element_type3A_923 = arith.extf %convert_element_type3A_922 : vector<96x3136xbf16> to vector<96x3136xf32>
    %sub3A_924 = arith.subf %sub3A_921, %convert_element_type3A_923 : vector<96x3136xf32>
    %convert_element_type3A_925 = arith.truncf %sub3A_924 : vector<96x3136xf32> to vector<96x3136xbf16>
    %dot_general3A_926 = arith.constant dense<0.000000e+00> : vector<96x49xf32>
    %dot_general3A_927 = tpu.matmul %convert_element_type3A_919, %get3A_8, %dot_general3A_926 {dimension_numbers = #tpu.dot_dimension_numbers<[1], [0], [0], [1], [0, 0, 1, 1], [], []>, transpose_lhs_hint = false} : vector<96x3136xbf16>, vector<3136x49xbf16>, vector<96x49xf32> -> vector<96x49xf32>
    %dot_general3A_928 = arith.constant dense<0.000000e+00> : vector<96x49xf32>
    %dot_general3A_929 = tpu.matmul %convert_element_type3A_922, %get3A_8, %dot_general3A_928 {dimension_numbers = #tpu.dot_dimension_numbers<[1], [0], [0], [1], [0, 0, 1, 1], [], []>, transpose_lhs_hint = false} : vector<96x3136xbf16>, vector<3136x49xbf16>, vector<96x49xf32> -> vector<96x49xf32>
    %add3A_930 = arith.addf %dot_general3A_927, %dot_general3A_929 : vector<96x49xf32>
    %dot_general3A_931 = arith.constant dense<0.000000e+00> : vector<96x49xf32>
    %dot_general3A_932 = tpu.matmul %convert_element_type3A_925, %get3A_8, %dot_general3A_931 {dimension_numbers = #tpu.dot_dimension_numbers<[1], [0], [0], [1], [0, 0, 1, 1], [], []>, transpose_lhs_hint = false} : vector<96x3136xbf16>, vector<3136x49xbf16>, vector<96x49xf32> -> vector<96x49xf32>
    %add3A_933 = arith.addf %add3A_930, %dot_general3A_932 : vector<96x49xf32>
    %slice3A_934 = vector.extract_strided_slice %add3A_918 {offsets = [0, 0], sizes = [48, 3136], strides = [1, 1]} : vector<96x3136xf32> to vector<48x3136xf32>
    %slice3A_935 = vector.extract_strided_slice %add3A_918 {offsets = [48, 0], sizes = [48, 3136], strides = [1, 1]} : vector<96x3136xf32> to vector<48x3136xf32>
    %slice3A_936 = vector.extract_strided_slice %add3A_933 {offsets = [0, 0], sizes = [48, 49], strides = [1, 1]} : vector<96x49xf32> to vector<48x49xf32>
    %slice3A_937 = vector.extract_strided_slice %add3A_933 {offsets = [48, 0], sizes = [48, 49], strides = [1, 1]} : vector<96x49xf32> to vector<48x49xf32>
    %mul3A_938 = arith.mulf %slice3A_934, %slice3A_934 : vector<48x3136xf32>
    %reduce_sum3A_939 = arith.constant dense<0.000000e+00> : vector<3136xf32>
    %reduce_sum3A_940 = vector.multi_reduction <add>, %mul3A_938, %reduce_sum3A_939 [0] : vector<48x3136xf32> to vector<3136xf32>
    %broadcast_in_dim3A_941 = vector.shape_cast %reduce_sum3A_940 : vector<3136xf32> to vector<1x3136xf32>
    %sqrt3A_942 = math.sqrt %broadcast_in_dim3A_941 : vector<1x3136xf32>
    %max3A_943 = arith.constant 9.99999996E-13 : f32
    %max3A_944 = vector.broadcast %max3A_943 : f32 to vector<1x3136xf32>
    %max3A_945 = arith.maximumf %sqrt3A_942, %max3A_944 : vector<1x3136xf32>
    %div3A_946 = vector.broadcast %max3A_945 : vector<1x3136xf32> to vector<48x3136xf32>
    %div3A_947 = arith.divf %slice3A_934, %div3A_946 : vector<48x3136xf32>
    %mul3A_948 = arith.mulf %slice3A_936, %slice3A_936 : vector<48x49xf32>
    %reduce_sum3A_949 = arith.constant dense<0.000000e+00> : vector<49xf32>
    %reduce_sum3A_950 = vector.multi_reduction <add>, %mul3A_948, %reduce_sum3A_949 [0] : vector<48x49xf32> to vector<49xf32>
    %broadcast_in_dim3A_951 = vector.shape_cast %reduce_sum3A_950 : vector<49xf32> to vector<1x49xf32>
    %sqrt3A_952 = math.sqrt %broadcast_in_dim3A_951 : vector<1x49xf32>
    %max3A_953 = arith.constant 9.99999996E-13 : f32
    %max3A_954 = vector.broadcast %max3A_953 : f32 to vector<1x49xf32>
    %max3A_955 = arith.maximumf %sqrt3A_952, %max3A_954 : vector<1x49xf32>
    %div3A_956 = vector.broadcast %max3A_955 : vector<1x49xf32> to vector<48x49xf32>
    %div3A_957 = arith.divf %slice3A_936, %div3A_956 : vector<48x49xf32>
    %convert_element_type3A_958 = arith.truncf %div3A_957 : vector<48x49xf32> to vector<48x49xbf16>
    %convert_element_type3A_959 = arith.truncf %div3A_947 : vector<48x3136xf32> to vector<48x3136xbf16>
    %dot_general3A_960 = arith.constant dense<0.000000e+00> : vector<49x3136xf32>
    %dot_general3A_961 = tpu.matmul %convert_element_type3A_958, %convert_element_type3A_959, %dot_general3A_960 {dimension_numbers = #tpu.dot_dimension_numbers<[0], [0], [1], [1], [0, 1, 1, 1], [], []>, transpose_lhs_hint = false} : vector<48x49xbf16>, vector<48x3136xbf16>, vector<49x3136xf32> -> vector<49x3136xf32>
    %mul3A_962 = vector.broadcast %get3A_11 : f32 to vector<49x3136xf32>
    %mul3A_963 = arith.mulf %mul3A_962, %dot_general3A_961 : vector<49x3136xf32>
    %add3A_964 = vector.broadcast %get3A_14 : f32 to vector<49x3136xf32>
    %add3A_965 = arith.addf %mul3A_963, %add3A_964 : vector<49x3136xf32>
    %logistic3A_966 = arith.negf %add3A_965 : vector<49x3136xf32>
    %logistic3A_967 = math.exp %logistic3A_966 : vector<49x3136xf32>
    %logistic3A_968 = arith.constant 1.000000e+00 : f32
    %logistic3A_969 = vector.broadcast %logistic3A_968 : f32 to vector<49x3136xf32>
    %logistic3A_970 = arith.addf %logistic3A_969, %logistic3A_967 : vector<49x3136xf32>
    %logistic3A_971 = arith.divf %logistic3A_969, %logistic3A_970 : vector<49x3136xf32>
    %reduce_max3A_972 = arith.constant dense<0xFF800000> : vector<3136xf32>
    %reduce_max3A_973 = vector.multi_reduction <maximumf>, %logistic3A_971, %reduce_max3A_972 [0] : vector<49x3136xf32> to vector<3136xf32>
    %broadcast_in_dim3A_974 = vector.shape_cast %reduce_max3A_973 : vector<3136xf32> to vector<1x3136xf32>
    %ge3A_975 = vector.broadcast %broadcast_in_dim3A_974 : vector<1x3136xf32> to vector<49x3136xf32>
    %ge3A_976 = arith.cmpf oge, %logistic3A_971, %ge3A_975 : vector<49x3136xf32>
    %convert_element_type3A_977 = arith.extui %ge3A_976 : vector<49x3136xi1> to vector<49x3136xi32>
    %convert_element_type3A_978 = arith.sitofp %convert_element_type3A_977 : vector<49x3136xi32> to vector<49x3136xf32>
    %convert_element_type3A_979 = arith.truncf %convert_element_type3A_978 : vector<49x3136xf32> to vector<49x3136xbf16>
    %dot_general3A_980 = arith.constant dense<0.000000e+00> : vector<49x3136xf32>
    %dot_general3A_981 = tpu.matmul %convert_element_type3A_18, %convert_element_type3A_979, %dot_general3A_980 {dimension_numbers = #tpu.dot_dimension_numbers<[1], [0], [0], [1], [0, 0, 1, 1], [], []>, transpose_lhs_hint = false} : vector<49x49xbf16>, vector<49x3136xbf16>, vector<49x3136xf32> -> vector<49x3136xf32>
    %eq3A_982 = arith.constant 1.000000e+00 : f32
    %eq3A_983 = vector.broadcast %eq3A_982 : f32 to vector<49x3136xf32>
    %eq3A_984 = arith.cmpf oeq, %dot_general3A_981, %eq3A_983 : vector<49x3136xf32>
    %jit3A_985 = arith.constant 0.000000e+00 : f32
    %broadcast_in_dim3A_986 = vector.broadcast %jit3A_985 : f32 to vector<49x3136xf32>
    %select_n3A_987 = arith.select %eq3A_984, %convert_element_type3A_978, %broadcast_in_dim3A_986 : vector<49x3136xi1>, vector<49x3136xf32>
    %mul3A_988 = vector.broadcast %broadcast_in_dim3A_974 : vector<1x3136xf32> to vector<49x3136xf32>
    %mul3A_989 = arith.mulf %select_n3A_987, %mul3A_988 : vector<49x3136xf32>
    %broadcast_in_dim3A_990 = arith.constant 1.000000e+00 : f32
    %broadcast_in_dim3A_991 = vector.broadcast %broadcast_in_dim3A_990 : f32 to vector<1x3136xf32>
    %concatenate3A_992 = tpu.concatenate %slice3A_935, %broadcast_in_dim3A_991 in 0 : vector<48x3136xf32>, vector<1x3136xf32> -> vector<49x3136xf32>
    %convert_element_type3A_993 = arith.truncf %concatenate3A_992 : vector<49x3136xf32> to vector<49x3136xbf16>
    %convert_element_type3A_994 = arith.extf %convert_element_type3A_993 : vector<49x3136xbf16> to vector<49x3136xf32>
    %sub3A_995 = arith.subf %concatenate3A_992, %convert_element_type3A_994 : vector<49x3136xf32>
    %convert_element_type3A_996 = arith.truncf %sub3A_995 : vector<49x3136xf32> to vector<49x3136xbf16>
    %convert_element_type3A_997 = arith.truncf %mul3A_989 : vector<49x3136xf32> to vector<49x3136xbf16>
    %convert_element_type3A_998 = arith.extf %convert_element_type3A_997 : vector<49x3136xbf16> to vector<49x3136xf32>
    %sub3A_999 = arith.subf %mul3A_989, %convert_element_type3A_998 : vector<49x3136xf32>
    %convert_element_type3A_1000 = arith.truncf %sub3A_999 : vector<49x3136xf32> to vector<49x3136xbf16>
    %dot_general3A_1001 = arith.constant dense<0.000000e+00> : vector<49x49xf32>
    %dot_general3A_1002 = tpu.matmul %convert_element_type3A_993, %convert_element_type3A_997, %dot_general3A_1001 {dimension_numbers = #tpu.dot_dimension_numbers<[1], [1], [0], [0], [0, 0, 1, 0], [], []>, transpose_lhs_hint = false} : vector<49x3136xbf16>, vector<49x3136xbf16>, vector<49x49xf32> -> vector<49x49xf32>
    %dot_general3A_1003 = arith.constant dense<0.000000e+00> : vector<49x49xf32>
    %dot_general3A_1004 = tpu.matmul %convert_element_type3A_993, %convert_element_type3A_1000, %dot_general3A_1003 {dimension_numbers = #tpu.dot_dimension_numbers<[1], [1], [0], [0], [0, 0, 1, 0], [], []>, transpose_lhs_hint = false} : vector<49x3136xbf16>, vector<49x3136xbf16>, vector<49x49xf32> -> vector<49x49xf32>
    %add3A_1005 = arith.addf %dot_general3A_1002, %dot_general3A_1004 : vector<49x49xf32>
    %dot_general3A_1006 = arith.constant dense<0.000000e+00> : vector<49x49xf32>
    %dot_general3A_1007 = tpu.matmul %convert_element_type3A_996, %convert_element_type3A_997, %dot_general3A_1006 {dimension_numbers = #tpu.dot_dimension_numbers<[1], [1], [0], [0], [0, 0, 1, 0], [], []>, transpose_lhs_hint = false} : vector<49x3136xbf16>, vector<49x3136xbf16>, vector<49x49xf32> -> vector<49x49xf32>
    %add3A_1008 = arith.addf %add3A_1005, %dot_general3A_1007 : vector<49x49xf32>
    %slice3A_1009 = vector.extract_strided_slice %add3A_1008 {offsets = [0, 0], sizes = [48, 49], strides = [1, 1]} : vector<49x49xf32> to vector<48x49xf32>
    %add3A_1010 = arith.addf %slice3A_937, %slice3A_1009 : vector<48x49xf32>
    %slice3A_1011 = vector.extract_strided_slice %add3A_1008 {offsets = [48, 0], sizes = [1, 49], strides = [1, 1]} : vector<49x49xf32> to vector<1x49xf32>
    %add3A_1012 = arith.constant 1.000000e+00 : f32
    %add3A_1013 = vector.broadcast %add3A_1012 : f32 to vector<1x49xf32>
    %add3A_1014 = arith.addf %add3A_1013, %slice3A_1011 : vector<1x49xf32>
    %div3A_1015 = vector.broadcast %add3A_1014 : vector<1x49xf32> to vector<48x49xf32>
    %div3A_1016 = arith.divf %add3A_1010, %div3A_1015 : vector<48x49xf32>
    %convert_element_type3A_1017 = arith.truncf %div3A_1016 : vector<48x49xf32> to vector<48x49xbf16>
    %convert_element_type3A_1018 = arith.extf %convert_element_type3A_1017 : vector<48x49xbf16> to vector<48x49xf32>
    %sub3A_1019 = arith.subf %div3A_1016, %convert_element_type3A_1018 : vector<48x49xf32>
    %convert_element_type3A_1020 = arith.truncf %sub3A_1019 : vector<48x49xf32> to vector<48x49xbf16>
    %convert_element_type3A_1021 = arith.truncf %mul3A_989 : vector<49x3136xf32> to vector<49x3136xbf16>
    %convert_element_type3A_1022 = arith.extf %convert_element_type3A_1021 : vector<49x3136xbf16> to vector<49x3136xf32>
    %sub3A_1023 = arith.subf %mul3A_989, %convert_element_type3A_1022 : vector<49x3136xf32>
    %convert_element_type3A_1024 = arith.truncf %sub3A_1023 : vector<49x3136xf32> to vector<49x3136xbf16>
    %dot_general3A_1025 = arith.constant dense<0.000000e+00> : vector<48x3136xf32>
    %dot_general3A_1026 = tpu.matmul %convert_element_type3A_1017, %convert_element_type3A_1021, %dot_general3A_1025 {dimension_numbers = #tpu.dot_dimension_numbers<[1], [0], [0], [1], [0, 0, 1, 1], [], []>, transpose_lhs_hint = false} : vector<48x49xbf16>, vector<49x3136xbf16>, vector<48x3136xf32> -> vector<48x3136xf32>
    %dot_general3A_1027 = arith.constant dense<0.000000e+00> : vector<48x3136xf32>
    %dot_general3A_1028 = tpu.matmul %convert_element_type3A_1017, %convert_element_type3A_1024, %dot_general3A_1027 {dimension_numbers = #tpu.dot_dimension_numbers<[1], [0], [0], [1], [0, 0, 1, 1], [], []>, transpose_lhs_hint = false} : vector<48x49xbf16>, vector<49x3136xbf16>, vector<48x3136xf32> -> vector<48x3136xf32>
    %add3A_1029 = arith.addf %dot_general3A_1026, %dot_general3A_1028 : vector<48x3136xf32>
    %dot_general3A_1030 = arith.constant dense<0.000000e+00> : vector<48x3136xf32>
    %dot_general3A_1031 = tpu.matmul %convert_element_type3A_1020, %convert_element_type3A_1021, %dot_general3A_1030 {dimension_numbers = #tpu.dot_dimension_numbers<[1], [0], [0], [1], [0, 0, 1, 1], [], []>, transpose_lhs_hint = false} : vector<48x49xbf16>, vector<49x3136xbf16>, vector<48x3136xf32> -> vector<48x3136xf32>
    %add3A_1032 = arith.addf %add3A_1029, %dot_general3A_1031 : vector<48x3136xf32>
    %convert_element_type3A_1033 = arith.truncf %add3A_1032 : vector<48x3136xf32> to vector<48x3136xbf16>
    %swap3A_1034 = arith.constant 336 : index
    %swap3A_1035 = arith.constant 0 : index
    %swap3A_1036 = vector.load %arg14[%swap3A_1034, %swap3A_1035] : memref<384x3136xbf16, #tpu.memory_space<vmem>>, vector<48x3136xbf16>
    tpu.vector_store %arg14[%swap3A_1034, %swap3A_1035], %convert_element_type3A_1033 {strides = array<i32>} : memref<384x3136xbf16, #tpu.memory_space<vmem>>, vector<48x3136xbf16>,
    %get3A_1037 = arith.constant 0 : index
    %get3A_1038 = arith.constant 0 : index
    %get3A_1039 = vector.load %arg8[%get3A_1037, %get3A_1038] : memref<384x384xf32, #tpu.memory_space<vmem>>, vector<384x384xf32>
    %convert_element_type3A_1040 = arith.truncf %get3A_1039 : vector<384x384xf32> to vector<384x384xbf16>
    %get3A_1041 = arith.constant 0 : index
    %get3A_1042 = arith.constant 0 : index
    %get3A_1043 = vector.load %arg14[%get3A_1041, %get3A_1042] : memref<384x3136xbf16, #tpu.memory_space<vmem>>, vector<384x3136xbf16>
    %dot_general3A_1044 = arith.constant dense<0.000000e+00> : vector<384x3136xf32>
    %dot_general3A_1045 = tpu.matmul %convert_element_type3A_1040, %get3A_1043, %dot_general3A_1044 {dimension_numbers = #tpu.dot_dimension_numbers<[1], [0], [0], [1], [0, 0, 1, 1], [], []>, transpose_lhs_hint = false} : vector<384x384xbf16>, vector<384x3136xbf16>, vector<384x3136xf32> -> vector<384x3136xf32>
    %get3A_1046 = arith.constant 0 : index
    %get3A_1047 = arith.constant 0 : index
    %get3A_1048 = vector.load %arg9[%get3A_1046, %get3A_1047] : memref<384x1xf32, #tpu.memory_space<vmem>>, vector<384x1xf32>
    %add3A_1049 = vector.broadcast %get3A_1048 : vector<384x1xf32> to vector<384x3136xf32>
    %add3A_1050 = arith.addf %dot_general3A_1045, %add3A_1049 : vector<384x3136xf32>
    %convert_element_type3A_1051 = arith.truncf %add3A_1050 : vector<384x3136xf32> to vector<384x3136xbf16>
    %swap3A_1052 = arith.constant 0 : index
    %swap3A_1053 = arith.constant 0 : index
    %swap3A_1054 = arith.constant 0 : index
    %swap3A_1055 = arith.constant 0 : index
    %swap3A_1056 = arith.constant 0 : index
    %swap3A_1057 = vector.load %arg11[%swap3A_1052, %swap3A_1053, %swap3A_1054, %swap3A_1055, %swap3A_1056] : memref<1x1x1x384x3136xbf16, #tpu.memory_space<vmem>>, vector<1x1x1x384x3136xbf16>
    %swap3A_1058 = vector.shape_cast %swap3A_1057 : vector<1x1x1x384x3136xbf16> to vector<384x3136xbf16>
    %swap3A_1059 = vector.shape_cast %convert_element_type3A_1051 : vector<384x3136xbf16> to vector<1x1x1x384x3136xbf16>
    tpu.vector_store %arg11[%swap3A_1052, %swap3A_1053, %swap3A_1054, %swap3A_1055, %swap3A_1056], %swap3A_1059 {strides = array<i32>} : memref<1x1x1x384x3136xbf16, #tpu.memory_space<vmem>>, vector<1x1x1x384x3136xbf16>,
    %reduce_sum3A_1060 = vector.shape_cast %add3A_1050 : vector<384x3136xf32> to vector<1x384x3136xf32>
    %reduce_sum3A_1061 = arith.constant dense<0.000000e+00> : vector<1xf32>
    %reduce_sum3A_1062 = vector.multi_reduction <add>, %reduce_sum3A_1060, %reduce_sum3A_1061 [1, 2] : vector<1x384x3136xf32> to vector<1xf32>
    %reduce_sum3A_1063 = vector.shape_cast %reduce_sum3A_1062 : vector<1xf32> to vector<1x1x1xf32>
    %reduce_sum3A_1064 = vector.extract %reduce_sum3A_1063[0, 0, 0] : f32 from vector<1x1x1xf32>
    %swap3A_1065 = arith.constant 0 : index
    %swap3A_1066 = arith.constant 0 : index
    %swap3A_1067 = arith.constant 0 : index
    %swap3A_1068 = memref.load %arg12[%swap3A_1065, %swap3A_1066, %swap3A_1067] : memref<1x1x1xf32, #tpu.memory_space<smem>>
    memref.store %reduce_sum3A_1064, %arg12[%swap3A_1065, %swap3A_1066, %swap3A_1067] : memref<1x1x1xf32, #tpu.memory_space<smem>>
    %mul3A_1069 = arith.mulf %add3A_1050, %add3A_1050 : vector<384x3136xf32>
    %reduce_sum3A_1070 = vector.shape_cast %mul3A_1069 : vector<384x3136xf32> to vector<1x384x3136xf32>
    %reduce_sum3A_1071 = arith.constant dense<0.000000e+00> : vector<1xf32>
    %reduce_sum3A_1072 = vector.multi_reduction <add>, %reduce_sum3A_1070, %reduce_sum3A_1071 [1, 2] : vector<1x384x3136xf32> to vector<1xf32>
    %reduce_sum3A_1073 = vector.shape_cast %reduce_sum3A_1072 : vector<1xf32> to vector<1x1x1xf32>
    %reduce_sum3A_1074 = vector.extract %reduce_sum3A_1073[0, 0, 0] : f32 from vector<1x1x1xf32>
    %swap3A_1075 = arith.constant 0 : index
    %swap3A_1076 = arith.constant 0 : index
    %swap3A_1077 = arith.constant 0 : index
    %swap3A_1078 = memref.load %arg13[%swap3A_1075, %swap3A_1076, %swap3A_1077] : memref<1x1x1xf32, #tpu.memory_space<smem>>
    memref.store %reduce_sum3A_1074, %arg13[%swap3A_1075, %swap3A_1076, %swap3A_1077] : memref<1x1x1xf32, #tpu.memory_space<smem>>
    return
  }
  func.func @transform_0(%arg0: i32, %arg1: i32, %arg2: i32) -> (i32, i32) {
    %c0_i32 = arith.constant 0 : i32
    %c0_i32_0 = arith.constant 0 : i32
    %c0_i32_1 = arith.constant 0 : i32
    return %c0_i32, %c0_i32_0 : i32, i32
  }
  func.func @transform_1(%arg0: i32, %arg1: i32, %arg2: i32) -> (i32, i32) {
    %c0_i32 = arith.constant 0 : i32
    %c0_i32_0 = arith.constant 0 : i32
    %c0_i32_1 = arith.constant 0 : i32
    return %c0_i32, %c0_i32_0 : i32, i32
  }
  func.func @transform_2(%arg0: i32, %arg1: i32, %arg2: i32) -> (i32, i32, i32, i32, i32) {
    %c0_i32 = arith.constant 0 : i32
    %c0_i32_0 = arith.constant 0 : i32
    %c0_i32_1 = arith.constant 0 : i32
    return %arg0, %arg1, %arg2, %c0_i32, %c0_i32_0 : i32, i32, i32, i32, i32
  }
  func.func @transform_3(%arg0: i32, %arg1: i32, %arg2: i32) -> (i32, i32) {
    %c0_i32 = arith.constant 0 : i32
    %c0_i32_0 = arith.constant 0 : i32
    %c0_i32_1 = arith.constant 0 : i32
    return %c0_i32, %c0_i32_0 : i32, i32
  }
  func.func @transform_4(%arg0: i32, %arg1: i32, %arg2: i32) -> (i32, i32) {
    %c0_i32 = arith.constant 0 : i32
    %c0_i32_0 = arith.constant 0 : i32
    %c0_i32_1 = arith.constant 0 : i32
    return %c0_i32, %c0_i32_0 : i32, i32
  }
  func.func @transform_5(%arg0: i32, %arg1: i32, %arg2: i32) -> (i32, i32) {
    %c0_i32 = arith.constant 0 : i32
    %c0_i32_0 = arith.constant 0 : i32
    %c0_i32_1 = arith.constant 0 : i32
    return %c0_i32, %c0_i32_0 : i32, i32
  }
  func.func @transform_6(%arg0: i32, %arg1: i32, %arg2: i32) -> (i32, i32) {
    %c0_i32 = arith.constant 0 : i32
    %c0_i32_0 = arith.constant 0 : i32
    %c0_i32_1 = arith.constant 0 : i32
    return %c0_i32, %c0_i32_0 : i32, i32
  }
  func.func @transform_7(%arg0: i32, %arg1: i32, %arg2: i32) -> (i32, i32) {
    %c0_i32 = arith.constant 0 : i32
    %c0_i32_0 = arith.constant 0 : i32
    %c0_i32_1 = arith.constant 0 : i32
    return %c0_i32, %c0_i32_0 : i32, i32
  }
  func.func @transform_8(%arg0: i32, %arg1: i32, %arg2: i32) -> (i32, i32, i32, i32, i32) {
    %c0_i32 = arith.constant 0 : i32
    %c0_i32_0 = arith.constant 0 : i32
    %c0_i32_1 = arith.constant 0 : i32
    return %arg0, %arg1, %arg2, %c0_i32, %c0_i32_0 : i32, i32, i32, i32, i32
  }
  func.func @transform_9(%arg0: i32, %arg1: i32, %arg2: i32) -> (i32, i32, i32) {
    %mul3A = arith.constant 4 : i32
    %mul3A_0 = arith.muli %arg0, %mul3A : i32
    %mul3A_1 = arith.constant 2 : i32
    %mul3A_2 = arith.muli %arg1, %mul3A_1 : i32
    %add3A = arith.addi %mul3A_0, %mul3A_2 : i32
    %add3A_3 = arith.addi %add3A, %arg2 : i32
    %c0_i32 = arith.constant 0 : i32
    %c0_i32_4 = arith.constant 0 : i32
    %c0_i32_5 = arith.constant 0 : i32
    return %add3A_3, %c0_i32, %c0_i32_4 : i32, i32, i32
  }
  func.func @transform_10(%arg0: i32, %arg1: i32, %arg2: i32) -> (i32, i32, i32) {
    %mul3A = arith.constant 4 : i32
    %mul3A_0 = arith.muli %arg0, %mul3A : i32
    %mul3A_1 = arith.constant 2 : i32
    %mul3A_2 = arith.muli %arg1, %mul3A_1 : i32
    %add3A = arith.addi %mul3A_0, %mul3A_2 : i32
    %add3A_3 = arith.addi %add3A, %arg2 : i32
    %c0_i32 = arith.constant 0 : i32
    %c0_i32_4 = arith.constant 0 : i32
    %c0_i32_5 = arith.constant 0 : i32
    return %add3A_3, %c0_i32, %c0_i32_4 : i32, i32, i32
  }
}

module attributes {stable_mosaic.version = 14 : i64} {
  func.func @_mlp_body(%arg0: i32, %arg1: i32, %arg2: i32, %arg3: memref<8x1x1xf32, #tpu.memory_space<smem>>, %arg4: memref<8x1x1xf32, #tpu.memory_space<smem>>, %arg5: memref<1x1x1x384x3136xf32, #tpu.memory_space<vmem>>, %arg6: memref<1x1x1x384x3136xbf16, #tpu.memory_space<vmem>>, %arg7: memref<384x1xf32, #tpu.memory_space<vmem>>, %arg8: memref<384x1xf32, #tpu.memory_space<vmem>>, %arg9: memref<768x768xf32, #tpu.memory_space<vmem>>, %arg10: memref<768x1xf32, #tpu.memory_space<vmem>>, %arg11: memref<384x768xf32, #tpu.memory_space<vmem>>, %arg12: memref<384x1xf32, #tpu.memory_space<vmem>>, %arg13: memref<1x1x1x384x3136xbf16, #tpu.memory_space<vmem>>, %arg14: memref<1x1x1xf32, #tpu.memory_space<smem>>, %arg15: memref<1x1x1xf32, #tpu.memory_space<smem>>) attributes {dimension_semantics = [#tpu.dimension_semantics<parallel>, #tpu.dimension_semantics<parallel>, #tpu.dimension_semantics<parallel>], iteration_bounds = array<i64: 2, 2, 2>, scalar_prefetch = 0 : i64, scratch_operands = 0 : i64, tpu.core_type = #tpu.core_type<tc>, window_params = [{transform_indices = @transform_0, window_bounds = array<i64: 8, 1, 1>}, {transform_indices = @transform_1, window_bounds = array<i64: 8, 1, 1>}, {transform_indices = @transform_2, window_bounds = array<i64: 1, 1, 1, 384, 3136>}, {transform_indices = @transform_3, window_bounds = array<i64: 1, 1, 1, 384, 3136>}, {pipeline_mode = #tpu.pipeline_mode<synchronous>, transform_indices = @transform_4, window_bounds = array<i64: 384, 1>}, {pipeline_mode = #tpu.pipeline_mode<synchronous>, transform_indices = @transform_5, window_bounds = array<i64: 384, 1>}, {pipeline_mode = #tpu.pipeline_mode<synchronous>, transform_indices = @transform_6, window_bounds = array<i64: 768, 768>}, {pipeline_mode = #tpu.pipeline_mode<synchronous>, transform_indices = @transform_7, window_bounds = array<i64: 768, 1>}, {pipeline_mode = #tpu.pipeline_mode<synchronous>, transform_indices = @transform_8, window_bounds = array<i64: 384, 768>}, {pipeline_mode = #tpu.pipeline_mode<synchronous>, transform_indices = @transform_9, window_bounds = array<i64: 384, 1>}, {transform_indices = @transform_10, window_bounds = array<i64: 1, 1, 1, 384, 3136>}, {transform_indices = @transform_11, window_bounds = array<i64: 1, 1, 1>}, {transform_indices = @transform_12, window_bounds = array<i64: 1, 1, 1>}]} {
    %mul3A = arith.constant 4 : i32
    %mul3A_0 = arith.muli %arg0, %mul3A : i32
    %add3A = arith.constant 0 : i32
    %add3A_1 = arith.addi %mul3A_0, %add3A : i32
    %add3A_2 = arith.constant 0 : i32
    %add3A_3 = arith.addi %add3A_1, %add3A_2 : i32
    %get3A = arith.index_cast %add3A_3 : i32 to index
    %get3A_4 = arith.constant 0 : index
    %get3A_5 = arith.constant 0 : index
    %get3A_6 = memref.load %arg3[%get3A, %get3A_4, %get3A_5] : memref<8x1x1xf32, #tpu.memory_space<smem>>
    %add3A_7 = arith.constant 0.000000e+00 : f32
    %add3A_8 = arith.addf %add3A_7, %get3A_6 : f32
    %mul3A_9 = arith.constant 4 : i32
    %mul3A_10 = arith.muli %arg0, %mul3A_9 : i32
    %add3A_11 = arith.constant 0 : i32
    %add3A_12 = arith.addi %mul3A_10, %add3A_11 : i32
    %add3A_13 = arith.constant 0 : i32
    %add3A_14 = arith.addi %add3A_12, %add3A_13 : i32
    %get3A_15 = arith.index_cast %add3A_14 : i32 to index
    %get3A_16 = arith.constant 0 : index
    %get3A_17 = arith.constant 0 : index
    %get3A_18 = memref.load %arg4[%get3A_15, %get3A_16, %get3A_17] : memref<8x1x1xf32, #tpu.memory_space<smem>>
    %add3A_19 = arith.constant 0.000000e+00 : f32
    %add3A_20 = arith.addf %add3A_19, %get3A_18 : f32
    %mul3A_21 = arith.constant 4 : i32
    %mul3A_22 = arith.muli %arg0, %mul3A_21 : i32
    %add3A_23 = arith.constant 0 : i32
    %add3A_24 = arith.addi %mul3A_22, %add3A_23 : i32
    %add3A_25 = arith.constant 1 : i32
    %add3A_26 = arith.addi %add3A_24, %add3A_25 : i32
    %get3A_27 = arith.index_cast %add3A_26 : i32 to index
    %get3A_28 = arith.constant 0 : index
    %get3A_29 = arith.constant 0 : index
    %get3A_30 = memref.load %arg3[%get3A_27, %get3A_28, %get3A_29] : memref<8x1x1xf32, #tpu.memory_space<smem>>
    %add3A_31 = arith.addf %add3A_8, %get3A_30 : f32
    %mul3A_32 = arith.constant 4 : i32
    %mul3A_33 = arith.muli %arg0, %mul3A_32 : i32
    %add3A_34 = arith.constant 0 : i32
    %add3A_35 = arith.addi %mul3A_33, %add3A_34 : i32
    %add3A_36 = arith.constant 1 : i32
    %add3A_37 = arith.addi %add3A_35, %add3A_36 : i32
    %get3A_38 = arith.index_cast %add3A_37 : i32 to index
    %get3A_39 = arith.constant 0 : index
    %get3A_40 = arith.constant 0 : index
    %get3A_41 = memref.load %arg4[%get3A_38, %get3A_39, %get3A_40] : memref<8x1x1xf32, #tpu.memory_space<smem>>
    %add3A_42 = arith.addf %add3A_20, %get3A_41 : f32
    %mul3A_43 = arith.constant 4 : i32
    %mul3A_44 = arith.muli %arg0, %mul3A_43 : i32
    %add3A_45 = arith.constant 2 : i32
    %add3A_46 = arith.addi %mul3A_44, %add3A_45 : i32
    %add3A_47 = arith.constant 0 : i32
    %add3A_48 = arith.addi %add3A_46, %add3A_47 : i32
    %get3A_49 = arith.index_cast %add3A_48 : i32 to index
    %get3A_50 = arith.constant 0 : index
    %get3A_51 = arith.constant 0 : index
    %get3A_52 = memref.load %arg3[%get3A_49, %get3A_50, %get3A_51] : memref<8x1x1xf32, #tpu.memory_space<smem>>
    %add3A_53 = arith.addf %add3A_31, %get3A_52 : f32
    %mul3A_54 = arith.constant 4 : i32
    %mul3A_55 = arith.muli %arg0, %mul3A_54 : i32
    %add3A_56 = arith.constant 2 : i32
    %add3A_57 = arith.addi %mul3A_55, %add3A_56 : i32
    %add3A_58 = arith.constant 0 : i32
    %add3A_59 = arith.addi %add3A_57, %add3A_58 : i32
    %get3A_60 = arith.index_cast %add3A_59 : i32 to index
    %get3A_61 = arith.constant 0 : index
    %get3A_62 = arith.constant 0 : index
    %get3A_63 = memref.load %arg4[%get3A_60, %get3A_61, %get3A_62] : memref<8x1x1xf32, #tpu.memory_space<smem>>
    %add3A_64 = arith.addf %add3A_42, %get3A_63 : f32
    %mul3A_65 = arith.constant 4 : i32
    %mul3A_66 = arith.muli %arg0, %mul3A_65 : i32
    %add3A_67 = arith.constant 2 : i32
    %add3A_68 = arith.addi %mul3A_66, %add3A_67 : i32
    %add3A_69 = arith.constant 1 : i32
    %add3A_70 = arith.addi %add3A_68, %add3A_69 : i32
    %get3A_71 = arith.index_cast %add3A_70 : i32 to index
    %get3A_72 = arith.constant 0 : index
    %get3A_73 = arith.constant 0 : index
    %get3A_74 = memref.load %arg3[%get3A_71, %get3A_72, %get3A_73] : memref<8x1x1xf32, #tpu.memory_space<smem>>
    %add3A_75 = arith.addf %add3A_53, %get3A_74 : f32
    %mul3A_76 = arith.constant 4 : i32
    %mul3A_77 = arith.muli %arg0, %mul3A_76 : i32
    %add3A_78 = arith.constant 2 : i32
    %add3A_79 = arith.addi %mul3A_77, %add3A_78 : i32
    %add3A_80 = arith.constant 1 : i32
    %add3A_81 = arith.addi %add3A_79, %add3A_80 : i32
    %get3A_82 = arith.index_cast %add3A_81 : i32 to index
    %get3A_83 = arith.constant 0 : index
    %get3A_84 = arith.constant 0 : index
    %get3A_85 = memref.load %arg4[%get3A_82, %get3A_83, %get3A_84] : memref<8x1x1xf32, #tpu.memory_space<smem>>
    %add3A_86 = arith.addf %add3A_64, %get3A_85 : f32
    %div3A = arith.constant 0x4A930000 : f32
    %div3A_87 = arith.divf %add3A_75, %div3A : f32
    %div3A_88 = arith.constant 0x4A930000 : f32
    %div3A_89 = arith.divf %add3A_86, %div3A_88 : f32
    %mul3A_90 = arith.mulf %div3A_87, %div3A_87 : f32
    %sub3A = arith.subf %div3A_89, %mul3A_90 : f32
    %add3A_91 = arith.constant 9.99999974E-6 : f32
    %add3A_92 = arith.addf %sub3A, %add3A_91 : f32
    %rsqrt3A = math.rsqrt %add3A_92 : f32
    %get3A_93 = arith.constant 0 : index
    %get3A_94 = arith.constant 0 : index
    %get3A_95 = arith.constant 0 : index
    %get3A_96 = arith.constant 0 : index
    %get3A_97 = arith.constant 0 : index
    %get3A_98 = vector.load %arg6[%get3A_93, %get3A_94, %get3A_95, %get3A_96, %get3A_97] : memref<1x1x1x384x3136xbf16, #tpu.memory_space<vmem>>, vector<1x1x1x384x3136xbf16>
    %get3A_99 = vector.shape_cast %get3A_98 : vector<1x1x1x384x3136xbf16> to vector<384x3136xbf16>
    %convert_element_type3A = arith.extf %get3A_99 : vector<384x3136xbf16> to vector<384x3136xf32>
    %sub3A_100 = vector.broadcast %div3A_87 : f32 to vector<384x3136xf32>
    %sub3A_101 = arith.subf %convert_element_type3A, %sub3A_100 : vector<384x3136xf32>
    %mul3A_102 = vector.broadcast %rsqrt3A : f32 to vector<384x3136xf32>
    %mul3A_103 = arith.mulf %sub3A_101, %mul3A_102 : vector<384x3136xf32>
    %get3A_104 = arith.constant 0 : index
    %get3A_105 = arith.constant 0 : index
    %get3A_106 = vector.load %arg7[%get3A_104, %get3A_105] : memref<384x1xf32, #tpu.memory_space<vmem>>, vector<384x1xf32>
    %mul3A_107 = vector.broadcast %get3A_106 : vector<384x1xf32> to vector<384x3136xf32>
    %mul3A_108 = arith.mulf %mul3A_103, %mul3A_107 : vector<384x3136xf32>
    %get3A_109 = arith.constant 0 : index
    %get3A_110 = arith.constant 0 : index
    %get3A_111 = vector.load %arg8[%get3A_109, %get3A_110] : memref<384x1xf32, #tpu.memory_space<vmem>>, vector<384x1xf32>
    %add3A_112 = vector.broadcast %get3A_111 : vector<384x1xf32> to vector<384x3136xf32>
    %add3A_113 = arith.addf %mul3A_108, %add3A_112 : vector<384x3136xf32>
    %get3A_114 = arith.constant 0 : index
    %get3A_115 = arith.constant 0 : index
    %get3A_116 = arith.constant 0 : index
    %get3A_117 = arith.constant 0 : index
    %get3A_118 = arith.constant 0 : index
    %get3A_119 = vector.load %arg5[%get3A_114, %get3A_115, %get3A_116, %get3A_117, %get3A_118] : memref<1x1x1x384x3136xf32, #tpu.memory_space<vmem>>, vector<1x1x1x384x3136xf32>
    %get3A_120 = vector.shape_cast %get3A_119 : vector<1x1x1x384x3136xf32> to vector<384x3136xf32>
    %get3A_121 = arith.constant 0 : index
    %get3A_122 = arith.constant 0 : index
    %get3A_123 = vector.load %arg9[%get3A_121, %get3A_122] : memref<768x768xf32, #tpu.memory_space<vmem>>, vector<768x768xf32>
    %convert_element_type3A_124 = arith.truncf %get3A_123 : vector<768x768xf32> to vector<768x768xbf16>
    %slice3A = vector.extract_strided_slice %convert_element_type3A_124 {offsets = [0, 0], sizes = [768, 384], strides = [1, 1]} : vector<768x768xbf16> to vector<768x384xbf16>
    %convert_element_type3A_125 = arith.truncf %get3A_120 : vector<384x3136xf32> to vector<384x3136xbf16>
    %dot_general3A = arith.constant dense<0.000000e+00> : vector<768x3136xf32>
    %dot_general3A_126 = tpu.matmul %slice3A, %convert_element_type3A_125, %dot_general3A {dimension_numbers = #tpu.dot_dimension_numbers<[1], [0], [0], [1], [0, 0, 1, 1], [], []>, transpose_lhs_hint = false} : vector<768x384xbf16>, vector<384x3136xbf16>, vector<768x3136xf32> -> vector<768x3136xf32>
    %slice3A_127 = vector.extract_strided_slice %convert_element_type3A_124 {offsets = [0, 384], sizes = [768, 384], strides = [1, 1]} : vector<768x768xbf16> to vector<768x384xbf16>
    %convert_element_type3A_128 = arith.truncf %add3A_113 : vector<384x3136xf32> to vector<384x3136xbf16>
    %dot_general3A_129 = arith.constant dense<0.000000e+00> : vector<768x3136xf32>
    %dot_general3A_130 = tpu.matmul %slice3A_127, %convert_element_type3A_128, %dot_general3A_129 {dimension_numbers = #tpu.dot_dimension_numbers<[1], [0], [0], [1], [0, 0, 1, 1], [], []>, transpose_lhs_hint = false} : vector<768x384xbf16>, vector<384x3136xbf16>, vector<768x3136xf32> -> vector<768x3136xf32>
    %add3A_131 = arith.addf %dot_general3A_126, %dot_general3A_130 : vector<768x3136xf32>
    %get3A_132 = arith.constant 0 : index
    %get3A_133 = arith.constant 0 : index
    %get3A_134 = vector.load %arg10[%get3A_132, %get3A_133] : memref<768x1xf32, #tpu.memory_space<vmem>>, vector<768x1xf32>
    %add3A_135 = vector.broadcast %get3A_134 : vector<768x1xf32> to vector<768x3136xf32>
    %add3A_136 = arith.addf %add3A_131, %add3A_135 : vector<768x3136xf32>
    %mul3A_137 = arith.constant 5.000000e-01 : f32
    %mul3A_138 = vector.broadcast %mul3A_137 : f32 to vector<768x3136xf32>
    %mul3A_139 = arith.mulf %mul3A_138, %add3A_136 : vector<768x3136xf32>
    %mul3A_140 = arith.constant 0.707106769 : f32
    %mul3A_141 = vector.broadcast %mul3A_140 : f32 to vector<768x3136xf32>
    %mul3A_142 = arith.mulf %add3A_136, %mul3A_141 : vector<768x3136xf32>
    %erf3A = math.erf %mul3A_142 : vector<768x3136xf32>
    %add3A_143 = arith.constant 1.000000e+00 : f32
    %add3A_144 = vector.broadcast %add3A_143 : f32 to vector<768x3136xf32>
    %add3A_145 = arith.addf %add3A_144, %erf3A : vector<768x3136xf32>
    %mul3A_146 = arith.mulf %mul3A_139, %add3A_145 : vector<768x3136xf32>
    %get3A_147 = arith.constant 0 : index
    %get3A_148 = arith.constant 0 : index
    %get3A_149 = vector.load %arg11[%get3A_147, %get3A_148] : memref<384x768xf32, #tpu.memory_space<vmem>>, vector<384x768xf32>
    %convert_element_type3A_150 = arith.truncf %get3A_149 : vector<384x768xf32> to vector<384x768xbf16>
    %convert_element_type3A_151 = arith.truncf %mul3A_146 : vector<768x3136xf32> to vector<768x3136xbf16>
    %dot_general3A_152 = arith.constant dense<0.000000e+00> : vector<384x3136xf32>
    %dot_general3A_153 = tpu.matmul %convert_element_type3A_150, %convert_element_type3A_151, %dot_general3A_152 {dimension_numbers = #tpu.dot_dimension_numbers<[1], [0], [0], [1], [0, 0, 1, 1], [], []>, transpose_lhs_hint = false} : vector<384x768xbf16>, vector<768x3136xbf16>, vector<384x3136xf32> -> vector<384x3136xf32>
    %get3A_154 = arith.constant 0 : index
    %get3A_155 = arith.constant 0 : index
    %get3A_156 = vector.load %arg12[%get3A_154, %get3A_155] : memref<384x1xf32, #tpu.memory_space<vmem>>, vector<384x1xf32>
    %add3A_157 = vector.broadcast %get3A_156 : vector<384x1xf32> to vector<384x3136xf32>
    %add3A_158 = arith.addf %dot_general3A_153, %add3A_157 : vector<384x3136xf32>
    %convert_element_type3A_159 = arith.truncf %add3A_158 : vector<384x3136xf32> to vector<384x3136xbf16>
    %swap3A = arith.constant 0 : index
    %swap3A_160 = arith.constant 0 : index
    %swap3A_161 = arith.constant 0 : index
    %swap3A_162 = arith.constant 0 : index
    %swap3A_163 = arith.constant 0 : index
    %swap3A_164 = vector.load %arg13[%swap3A, %swap3A_160, %swap3A_161, %swap3A_162, %swap3A_163] : memref<1x1x1x384x3136xbf16, #tpu.memory_space<vmem>>, vector<1x1x1x384x3136xbf16>
    %swap3A_165 = vector.shape_cast %swap3A_164 : vector<1x1x1x384x3136xbf16> to vector<384x3136xbf16>
    %swap3A_166 = vector.shape_cast %convert_element_type3A_159 : vector<384x3136xbf16> to vector<1x1x1x384x3136xbf16>
    tpu.vector_store %arg13[%swap3A, %swap3A_160, %swap3A_161, %swap3A_162, %swap3A_163], %swap3A_166 {strides = array<i32>} : memref<1x1x1x384x3136xbf16, #tpu.memory_space<vmem>>, vector<1x1x1x384x3136xbf16>,
    %reduce_sum3A = vector.shape_cast %add3A_158 : vector<384x3136xf32> to vector<1x384x3136xf32>
    %reduce_sum3A_167 = arith.constant dense<0.000000e+00> : vector<1xf32>
    %reduce_sum3A_168 = vector.multi_reduction <add>, %reduce_sum3A, %reduce_sum3A_167 [1, 2] : vector<1x384x3136xf32> to vector<1xf32>
    %reduce_sum3A_169 = vector.shape_cast %reduce_sum3A_168 : vector<1xf32> to vector<1x1x1xf32>
    %reduce_sum3A_170 = vector.extract %reduce_sum3A_169[0, 0, 0] : f32 from vector<1x1x1xf32>
    %swap3A_171 = arith.constant 0 : index
    %swap3A_172 = arith.constant 0 : index
    %swap3A_173 = arith.constant 0 : index
    %swap3A_174 = memref.load %arg14[%swap3A_171, %swap3A_172, %swap3A_173] : memref<1x1x1xf32, #tpu.memory_space<smem>>
    memref.store %reduce_sum3A_170, %arg14[%swap3A_171, %swap3A_172, %swap3A_173] : memref<1x1x1xf32, #tpu.memory_space<smem>>
    %mul3A_175 = arith.mulf %add3A_158, %add3A_158 : vector<384x3136xf32>
    %reduce_sum3A_176 = vector.shape_cast %mul3A_175 : vector<384x3136xf32> to vector<1x384x3136xf32>
    %reduce_sum3A_177 = arith.constant dense<0.000000e+00> : vector<1xf32>
    %reduce_sum3A_178 = vector.multi_reduction <add>, %reduce_sum3A_176, %reduce_sum3A_177 [1, 2] : vector<1x384x3136xf32> to vector<1xf32>
    %reduce_sum3A_179 = vector.shape_cast %reduce_sum3A_178 : vector<1xf32> to vector<1x1x1xf32>
    %reduce_sum3A_180 = vector.extract %reduce_sum3A_179[0, 0, 0] : f32 from vector<1x1x1xf32>
    %swap3A_181 = arith.constant 0 : index
    %swap3A_182 = arith.constant 0 : index
    %swap3A_183 = arith.constant 0 : index
    %swap3A_184 = memref.load %arg15[%swap3A_181, %swap3A_182, %swap3A_183] : memref<1x1x1xf32, #tpu.memory_space<smem>>
    memref.store %reduce_sum3A_180, %arg15[%swap3A_181, %swap3A_182, %swap3A_183] : memref<1x1x1xf32, #tpu.memory_space<smem>>
    return
  }
  func.func @transform_0(%arg0: i32, %arg1: i32, %arg2: i32) -> (i32, i32, i32) {
    %c0_i32 = arith.constant 0 : i32
    %c0_i32_0 = arith.constant 0 : i32
    %c0_i32_1 = arith.constant 0 : i32
    %c0_i32_2 = arith.constant 0 : i32
    return %c0_i32, %c0_i32_0, %c0_i32_1 : i32, i32, i32
  }
  func.func @transform_1(%arg0: i32, %arg1: i32, %arg2: i32) -> (i32, i32, i32) {
    %c0_i32 = arith.constant 0 : i32
    %c0_i32_0 = arith.constant 0 : i32
    %c0_i32_1 = arith.constant 0 : i32
    %c0_i32_2 = arith.constant 0 : i32
    return %c0_i32, %c0_i32_0, %c0_i32_1 : i32, i32, i32
  }
  func.func @transform_2(%arg0: i32, %arg1: i32, %arg2: i32) -> (i32, i32, i32, i32, i32) {
    %c0_i32 = arith.constant 0 : i32
    %c0_i32_0 = arith.constant 0 : i32
    %c0_i32_1 = arith.constant 0 : i32
    return %arg0, %arg1, %arg2, %c0_i32, %c0_i32_0 : i32, i32, i32, i32, i32
  }
  func.func @transform_3(%arg0: i32, %arg1: i32, %arg2: i32) -> (i32, i32, i32, i32, i32) {
    %c0_i32 = arith.constant 0 : i32
    %c0_i32_0 = arith.constant 0 : i32
    %c0_i32_1 = arith.constant 0 : i32
    return %arg0, %arg1, %arg2, %c0_i32, %c0_i32_0 : i32, i32, i32, i32, i32
  }
  func.func @transform_4(%arg0: i32, %arg1: i32, %arg2: i32) -> (i32, i32) {
    %c0_i32 = arith.constant 0 : i32
    %c0_i32_0 = arith.constant 0 : i32
    %c0_i32_1 = arith.constant 0 : i32
    return %c0_i32, %c0_i32_0 : i32, i32
  }
  func.func @transform_5(%arg0: i32, %arg1: i32, %arg2: i32) -> (i32, i32) {
    %c0_i32 = arith.constant 0 : i32
    %c0_i32_0 = arith.constant 0 : i32
    %c0_i32_1 = arith.constant 0 : i32
    return %c0_i32, %c0_i32_0 : i32, i32
  }
  func.func @transform_6(%arg0: i32, %arg1: i32, %arg2: i32) -> (i32, i32) {
    %c0_i32 = arith.constant 0 : i32
    %c0_i32_0 = arith.constant 0 : i32
    %c0_i32_1 = arith.constant 0 : i32
    return %c0_i32, %c0_i32_0 : i32, i32
  }
  func.func @transform_7(%arg0: i32, %arg1: i32, %arg2: i32) -> (i32, i32) {
    %c0_i32 = arith.constant 0 : i32
    %c0_i32_0 = arith.constant 0 : i32
    %c0_i32_1 = arith.constant 0 : i32
    return %c0_i32, %c0_i32_0 : i32, i32
  }
  func.func @transform_8(%arg0: i32, %arg1: i32, %arg2: i32) -> (i32, i32) {
    %c0_i32 = arith.constant 0 : i32
    %c0_i32_0 = arith.constant 0 : i32
    %c0_i32_1 = arith.constant 0 : i32
    return %c0_i32, %c0_i32_0 : i32, i32
  }
  func.func @transform_9(%arg0: i32, %arg1: i32, %arg2: i32) -> (i32, i32) {
    %c0_i32 = arith.constant 0 : i32
    %c0_i32_0 = arith.constant 0 : i32
    %c0_i32_1 = arith.constant 0 : i32
    return %c0_i32, %c0_i32_0 : i32, i32
  }
  func.func @transform_10(%arg0: i32, %arg1: i32, %arg2: i32) -> (i32, i32, i32, i32, i32) {
    %c0_i32 = arith.constant 0 : i32
    %c0_i32_0 = arith.constant 0 : i32
    %c0_i32_1 = arith.constant 0 : i32
    return %arg0, %arg1, %arg2, %c0_i32, %c0_i32_0 : i32, i32, i32, i32, i32
  }
  func.func @transform_11(%arg0: i32, %arg1: i32, %arg2: i32) -> (i32, i32, i32) {
    %mul3A = arith.constant 4 : i32
    %mul3A_0 = arith.muli %arg0, %mul3A : i32
    %mul3A_1 = arith.constant 2 : i32
    %mul3A_2 = arith.muli %arg1, %mul3A_1 : i32
    %add3A = arith.addi %mul3A_0, %mul3A_2 : i32
    %add3A_3 = arith.addi %add3A, %arg2 : i32
    %c0_i32 = arith.constant 0 : i32
    %c0_i32_4 = arith.constant 0 : i32
    %c0_i32_5 = arith.constant 0 : i32
    return %add3A_3, %c0_i32, %c0_i32_4 : i32, i32, i32
  }
  func.func @transform_12(%arg0: i32, %arg1: i32, %arg2: i32) -> (i32, i32, i32) {
    %mul3A = arith.constant 4 : i32
    %mul3A_0 = arith.muli %arg0, %mul3A : i32
    %mul3A_1 = arith.constant 2 : i32
    %mul3A_2 = arith.muli %arg1, %mul3A_1 : i32
    %add3A = arith.addi %mul3A_0, %mul3A_2 : i32
    %add3A_3 = arith.addi %add3A, %arg2 : i32
    %c0_i32 = arith.constant 0 : i32
    %c0_i32_4 = arith.constant 0 : i32
    %c0_i32_5 = arith.constant 0 : i32
    return %add3A_3, %c0_i32, %c0_i32_4 : i32, i32, i32
  }
}

module attributes {stable_mosaic.version = 14 : i64} {
  func.func @_final_body(%arg0: i32, %arg1: i32, %arg2: i32, %arg3: memref<8x1x1xf32, #tpu.memory_space<smem>>, %arg4: memref<8x1x1xf32, #tpu.memory_space<smem>>, %arg5: memref<384x1xf32, #tpu.memory_space<vmem>>, %arg6: memref<384x1xf32, #tpu.memory_space<vmem>>, %arg7: memref<1x1x1x384x3136xbf16, #tpu.memory_space<vmem>>, %arg8: memref<1x1x1x384x3136xf32, #tpu.memory_space<vmem>>, %arg9: memref<1x1x1x384x3136xf32, #tpu.memory_space<vmem>>) attributes {dimension_semantics = [#tpu.dimension_semantics<parallel>, #tpu.dimension_semantics<parallel>, #tpu.dimension_semantics<parallel>], iteration_bounds = array<i64: 2, 2, 2>, scalar_prefetch = 0 : i64, scratch_operands = 0 : i64, tpu.core_type = #tpu.core_type<tc>, window_params = [{transform_indices = @transform_0, window_bounds = array<i64: 8, 1, 1>}, {transform_indices = @transform_1, window_bounds = array<i64: 8, 1, 1>}, {pipeline_mode = #tpu.pipeline_mode<synchronous>, transform_indices = @transform_2, window_bounds = array<i64: 384, 1>}, {pipeline_mode = #tpu.pipeline_mode<synchronous>, transform_indices = @transform_3, window_bounds = array<i64: 384, 1>}, {transform_indices = @transform_4, window_bounds = array<i64: 1, 1, 1, 384, 3136>}, {transform_indices = @transform_5, window_bounds = array<i64: 1, 1, 1, 384, 3136>}, {transform_indices = @transform_6, window_bounds = array<i64: 1, 1, 1, 384, 3136>}]} {
    %mul3A = arith.constant 4 : i32
    %mul3A_0 = arith.muli %arg0, %mul3A : i32
    %add3A = arith.constant 0 : i32
    %add3A_1 = arith.addi %mul3A_0, %add3A : i32
    %add3A_2 = arith.constant 0 : i32
    %add3A_3 = arith.addi %add3A_1, %add3A_2 : i32
    %get3A = arith.index_cast %add3A_3 : i32 to index
    %get3A_4 = arith.constant 0 : index
    %get3A_5 = arith.constant 0 : index
    %get3A_6 = memref.load %arg3[%get3A, %get3A_4, %get3A_5] : memref<8x1x1xf32, #tpu.memory_space<smem>>
    %add3A_7 = arith.constant 0.000000e+00 : f32
    %add3A_8 = arith.addf %add3A_7, %get3A_6 : f32
    %mul3A_9 = arith.constant 4 : i32
    %mul3A_10 = arith.muli %arg0, %mul3A_9 : i32
    %add3A_11 = arith.constant 0 : i32
    %add3A_12 = arith.addi %mul3A_10, %add3A_11 : i32
    %add3A_13 = arith.constant 0 : i32
    %add3A_14 = arith.addi %add3A_12, %add3A_13 : i32
    %get3A_15 = arith.index_cast %add3A_14 : i32 to index
    %get3A_16 = arith.constant 0 : index
    %get3A_17 = arith.constant 0 : index
    %get3A_18 = memref.load %arg4[%get3A_15, %get3A_16, %get3A_17] : memref<8x1x1xf32, #tpu.memory_space<smem>>
    %add3A_19 = arith.constant 0.000000e+00 : f32
    %add3A_20 = arith.addf %add3A_19, %get3A_18 : f32
    %mul3A_21 = arith.constant 4 : i32
    %mul3A_22 = arith.muli %arg0, %mul3A_21 : i32
    %add3A_23 = arith.constant 0 : i32
    %add3A_24 = arith.addi %mul3A_22, %add3A_23 : i32
    %add3A_25 = arith.constant 1 : i32
    %add3A_26 = arith.addi %add3A_24, %add3A_25 : i32
    %get3A_27 = arith.index_cast %add3A_26 : i32 to index
    %get3A_28 = arith.constant 0 : index
    %get3A_29 = arith.constant 0 : index
    %get3A_30 = memref.load %arg3[%get3A_27, %get3A_28, %get3A_29] : memref<8x1x1xf32, #tpu.memory_space<smem>>
    %add3A_31 = arith.addf %add3A_8, %get3A_30 : f32
    %mul3A_32 = arith.constant 4 : i32
    %mul3A_33 = arith.muli %arg0, %mul3A_32 : i32
    %add3A_34 = arith.constant 0 : i32
    %add3A_35 = arith.addi %mul3A_33, %add3A_34 : i32
    %add3A_36 = arith.constant 1 : i32
    %add3A_37 = arith.addi %add3A_35, %add3A_36 : i32
    %get3A_38 = arith.index_cast %add3A_37 : i32 to index
    %get3A_39 = arith.constant 0 : index
    %get3A_40 = arith.constant 0 : index
    %get3A_41 = memref.load %arg4[%get3A_38, %get3A_39, %get3A_40] : memref<8x1x1xf32, #tpu.memory_space<smem>>
    %add3A_42 = arith.addf %add3A_20, %get3A_41 : f32
    %mul3A_43 = arith.constant 4 : i32
    %mul3A_44 = arith.muli %arg0, %mul3A_43 : i32
    %add3A_45 = arith.constant 2 : i32
    %add3A_46 = arith.addi %mul3A_44, %add3A_45 : i32
    %add3A_47 = arith.constant 0 : i32
    %add3A_48 = arith.addi %add3A_46, %add3A_47 : i32
    %get3A_49 = arith.index_cast %add3A_48 : i32 to index
    %get3A_50 = arith.constant 0 : index
    %get3A_51 = arith.constant 0 : index
    %get3A_52 = memref.load %arg3[%get3A_49, %get3A_50, %get3A_51] : memref<8x1x1xf32, #tpu.memory_space<smem>>
    %add3A_53 = arith.addf %add3A_31, %get3A_52 : f32
    %mul3A_54 = arith.constant 4 : i32
    %mul3A_55 = arith.muli %arg0, %mul3A_54 : i32
    %add3A_56 = arith.constant 2 : i32
    %add3A_57 = arith.addi %mul3A_55, %add3A_56 : i32
    %add3A_58 = arith.constant 0 : i32
    %add3A_59 = arith.addi %add3A_57, %add3A_58 : i32
    %get3A_60 = arith.index_cast %add3A_59 : i32 to index
    %get3A_61 = arith.constant 0 : index
    %get3A_62 = arith.constant 0 : index
    %get3A_63 = memref.load %arg4[%get3A_60, %get3A_61, %get3A_62] : memref<8x1x1xf32, #tpu.memory_space<smem>>
    %add3A_64 = arith.addf %add3A_42, %get3A_63 : f32
    %mul3A_65 = arith.constant 4 : i32
    %mul3A_66 = arith.muli %arg0, %mul3A_65 : i32
    %add3A_67 = arith.constant 2 : i32
    %add3A_68 = arith.addi %mul3A_66, %add3A_67 : i32
    %add3A_69 = arith.constant 1 : i32
    %add3A_70 = arith.addi %add3A_68, %add3A_69 : i32
    %get3A_71 = arith.index_cast %add3A_70 : i32 to index
    %get3A_72 = arith.constant 0 : index
    %get3A_73 = arith.constant 0 : index
    %get3A_74 = memref.load %arg3[%get3A_71, %get3A_72, %get3A_73] : memref<8x1x1xf32, #tpu.memory_space<smem>>
    %add3A_75 = arith.addf %add3A_53, %get3A_74 : f32
    %mul3A_76 = arith.constant 4 : i32
    %mul3A_77 = arith.muli %arg0, %mul3A_76 : i32
    %add3A_78 = arith.constant 2 : i32
    %add3A_79 = arith.addi %mul3A_77, %add3A_78 : i32
    %add3A_80 = arith.constant 1 : i32
    %add3A_81 = arith.addi %add3A_79, %add3A_80 : i32
    %get3A_82 = arith.index_cast %add3A_81 : i32 to index
    %get3A_83 = arith.constant 0 : index
    %get3A_84 = arith.constant 0 : index
    %get3A_85 = memref.load %arg4[%get3A_82, %get3A_83, %get3A_84] : memref<8x1x1xf32, #tpu.memory_space<smem>>
    %add3A_86 = arith.addf %add3A_64, %get3A_85 : f32
    %div3A = arith.constant 0x4A930000 : f32
    %div3A_87 = arith.divf %add3A_75, %div3A : f32
    %div3A_88 = arith.constant 0x4A930000 : f32
    %div3A_89 = arith.divf %add3A_86, %div3A_88 : f32
    %mul3A_90 = arith.mulf %div3A_87, %div3A_87 : f32
    %sub3A = arith.subf %div3A_89, %mul3A_90 : f32
    %add3A_91 = arith.constant 9.99999974E-6 : f32
    %add3A_92 = arith.addf %sub3A, %add3A_91 : f32
    %rsqrt3A = math.rsqrt %add3A_92 : f32
    %get3A_93 = arith.constant 0 : index
    %get3A_94 = arith.constant 0 : index
    %get3A_95 = arith.constant 0 : index
    %get3A_96 = arith.constant 0 : index
    %get3A_97 = arith.constant 0 : index
    %get3A_98 = vector.load %arg7[%get3A_93, %get3A_94, %get3A_95, %get3A_96, %get3A_97] : memref<1x1x1x384x3136xbf16, #tpu.memory_space<vmem>>, vector<1x1x1x384x3136xbf16>
    %get3A_99 = vector.shape_cast %get3A_98 : vector<1x1x1x384x3136xbf16> to vector<384x3136xbf16>
    %convert_element_type3A = arith.extf %get3A_99 : vector<384x3136xbf16> to vector<384x3136xf32>
    %sub3A_100 = vector.broadcast %div3A_87 : f32 to vector<384x3136xf32>
    %sub3A_101 = arith.subf %convert_element_type3A, %sub3A_100 : vector<384x3136xf32>
    %mul3A_102 = vector.broadcast %rsqrt3A : f32 to vector<384x3136xf32>
    %mul3A_103 = arith.mulf %sub3A_101, %mul3A_102 : vector<384x3136xf32>
    %get3A_104 = arith.constant 0 : index
    %get3A_105 = arith.constant 0 : index
    %get3A_106 = vector.load %arg5[%get3A_104, %get3A_105] : memref<384x1xf32, #tpu.memory_space<vmem>>, vector<384x1xf32>
    %mul3A_107 = vector.broadcast %get3A_106 : vector<384x1xf32> to vector<384x3136xf32>
    %mul3A_108 = arith.mulf %mul3A_103, %mul3A_107 : vector<384x3136xf32>
    %get3A_109 = arith.constant 0 : index
    %get3A_110 = arith.constant 0 : index
    %get3A_111 = vector.load %arg6[%get3A_109, %get3A_110] : memref<384x1xf32, #tpu.memory_space<vmem>>, vector<384x1xf32>
    %add3A_112 = vector.broadcast %get3A_111 : vector<384x1xf32> to vector<384x3136xf32>
    %add3A_113 = arith.addf %mul3A_108, %add3A_112 : vector<384x3136xf32>
    %get3A_114 = arith.constant 0 : index
    %get3A_115 = arith.constant 0 : index
    %get3A_116 = arith.constant 0 : index
    %get3A_117 = arith.constant 0 : index
    %get3A_118 = arith.constant 0 : index
    %get3A_119 = vector.load %arg8[%get3A_114, %get3A_115, %get3A_116, %get3A_117, %get3A_118] : memref<1x1x1x384x3136xf32, #tpu.memory_space<vmem>>, vector<1x1x1x384x3136xf32>
    %get3A_120 = vector.shape_cast %get3A_119 : vector<1x1x1x384x3136xf32> to vector<384x3136xf32>
    %add3A_121 = arith.addf %add3A_113, %get3A_120 : vector<384x3136xf32>
    %swap3A = arith.constant 0 : index
    %swap3A_122 = arith.constant 0 : index
    %swap3A_123 = arith.constant 0 : index
    %swap3A_124 = arith.constant 0 : index
    %swap3A_125 = arith.constant 0 : index
    %swap3A_126 = vector.load %arg9[%swap3A, %swap3A_122, %swap3A_123, %swap3A_124, %swap3A_125] : memref<1x1x1x384x3136xf32, #tpu.memory_space<vmem>>, vector<1x1x1x384x3136xf32>
    %swap3A_127 = vector.shape_cast %swap3A_126 : vector<1x1x1x384x3136xf32> to vector<384x3136xf32>
    %swap3A_128 = vector.shape_cast %add3A_121 : vector<384x3136xf32> to vector<1x1x1x384x3136xf32>
    tpu.vector_store %arg9[%swap3A, %swap3A_122, %swap3A_123, %swap3A_124, %swap3A_125], %swap3A_128 {strides = array<i32>} : memref<1x1x1x384x3136xf32, #tpu.memory_space<vmem>>, vector<1x1x1x384x3136xf32>,
    return
  }
  func.func @transform_0(%arg0: i32, %arg1: i32, %arg2: i32) -> (i32, i32, i32) {
    %c0_i32 = arith.constant 0 : i32
    %c0_i32_0 = arith.constant 0 : i32
    %c0_i32_1 = arith.constant 0 : i32
    %c0_i32_2 = arith.constant 0 : i32
    return %c0_i32, %c0_i32_0, %c0_i32_1 : i32, i32, i32
  }
  func.func @transform_1(%arg0: i32, %arg1: i32, %arg2: i32) -> (i32, i32, i32) {
    %c0_i32 = arith.constant 0 : i32
    %c0_i32_0 = arith.constant 0 : i32
    %c0_i32_1 = arith.constant 0 : i32
    %c0_i32_2 = arith.constant 0 : i32
    return %c0_i32, %c0_i32_0, %c0_i32_1 : i32, i32, i32
  }
  func.func @transform_2(%arg0: i32, %arg1: i32, %arg2: i32) -> (i32, i32) {
    %c0_i32 = arith.constant 0 : i32
    %c0_i32_0 = arith.constant 0 : i32
    %c0_i32_1 = arith.constant 0 : i32
    return %c0_i32, %c0_i32_0 : i32, i32
  }
  func.func @transform_3(%arg0: i32, %arg1: i32, %arg2: i32) -> (i32, i32) {
    %c0_i32 = arith.constant 0 : i32
    %c0_i32_0 = arith.constant 0 : i32
    %c0_i32_1 = arith.constant 0 : i32
    return %c0_i32, %c0_i32_0 : i32, i32
  }
  func.func @transform_4(%arg0: i32, %arg1: i32, %arg2: i32) -> (i32, i32, i32, i32, i32) {
    %c0_i32 = arith.constant 0 : i32
    %c0_i32_0 = arith.constant 0 : i32
    %c0_i32_1 = arith.constant 0 : i32
    return %arg0, %arg1, %arg2, %c0_i32, %c0_i32_0 : i32, i32, i32, i32, i32
  }
  func.func @transform_5(%arg0: i32, %arg1: i32, %arg2: i32) -> (i32, i32, i32, i32, i32) {
    %c0_i32 = arith.constant 0 : i32
    %c0_i32_0 = arith.constant 0 : i32
    %c0_i32_1 = arith.constant 0 : i32
    return %arg0, %arg1, %arg2, %c0_i32, %c0_i32_0 : i32, i32, i32, i32, i32
  }
  func.func @transform_6(%arg0: i32, %arg1: i32, %arg2: i32) -> (i32, i32, i32, i32, i32) {
    %c0_i32 = arith.constant 0 : i32
    %c0_i32_0 = arith.constant 0 : i32
    %c0_i32_1 = arith.constant 0 : i32
    return %arg0, %arg1, %arg2, %c0_i32, %c0_i32_0 : i32, i32, i32, i32, i32
  }
}

</mosaic_0001>

<sc_bundles>
// kernel: sparse-core-data-format-call.1.cloned.1.call-start
scs
called_computation.1_lowered:
.L_overlay_start_0:
0x0: {  	s2 =	sld [smem:$0x3FD9]  }
0x1: {  	s3 =	sld [smem:$0x3FFE];
	_ =	sdelay $0x1  }
0x2: {  	s1 =	srdreg.scid  }
0x3: {  	s0 =	sand.u32 $0x1, s1  }
0x4: {  	s19 =	sshll.u32 s0, $0xA;
	s2 =	sadd.s32 s3, s2  }
0x5: {  	s2 =	sadd.s32 s2, s19  }
0x6: {  	[smem:$0x3FB9] =	sst s2  }
0x7: {  	_ = 	snop  }
0x8: {  	s2 =	sld [smem:$0x3FC9]  }
0x9: {  	s20 =	sld [smem:$0x3FD0];
	(tm) =	ssettm $0x1  }
0xa: {  	s4 =	sld [smem:$0x3FFB];
	_ =	sdelay $0x3  }
0xb: {  	_ =	strace s4  }
0xc: {  	s4 =	sld [smem:$0x3FFC];
	_ =	sdelay $0x3  }
0xd: {  	_ =	strace s4  }
0xe: {  	s4 =	sld [smem:$0x3FFD];
	_ =	sdelay $0x3  }
0xf: {  	_ =	strace s4  }
0x10: {  	_ =	strace $0x8FFFFFFF  }
0x11: {  	s21 =	sld [smem:$0x3FDB];
	_ =	sdelay $0x1  }
0x12: {  	s5 =	simm.s32 $_scs_section_size  }
0x13: {  	s6 =	simm.s32 $_size__tile_overlayer_lowered;
	s7 =	simm.s32 $_tile_overlayer_lowered  }
0x14: {  	s24 =	simm.s32 $0x1BFF;
	s23 =	sshll.u32 s7, $0x1;
	s4 =	sadd.s32 s5, s21  }
0x15: {  	s8 =	simm.s32 $0x0;
	s22 =	sshll.u32 s6, $0x1;
	s6 =	sadd.s32 s23, s4  }
0x16: {  	[timem:s8], [sflag:s24] =	dma.local [hbm:s6], s22  }
0x17: {  	_ =	swait.ge [sflag:s24], s22  }
0x18: {  	s5 =	ssub.s32 $0x0, s22;
	[sflag:s24] =	ssyncset.done $0x0  }
0x19: {  	[sflag:s24] =	ssyncadd.s32 s5;
	_ =	sdelay $0x1  }
0x1a: {  	s25 =	simm.s32 $0x1B8B  }
0x1b: {  	_ =	swait.ge [sflag:s25], $0x1  }
0x1c: {  	[sflag:s25] =	ssyncset.done $0x0  }
0x1d: {  	s26 =	simm.s32 $0x1B8E;
	[sflag:s25] =	ssyncadd.s32 $0xFFFFFFFF  }
0x1e: {  	s27 =	simm.s32 $execute0_lowered;
	[smem:$0x3FD2] =	sst s26  }
0x1f: {  	s5 =	sshll.u32 s27, $0x1;
	_ =	strace $0x80000046;
	[dreg:$0x1] =	wrdreg $0xFFFFFFFF  }
0x20: {  	s28 =	simm.s32 $_size_execute0_lowered;
	s4 =	sadd.s32 s4, s5;
	[dreg:$0x0] =	wrdreg $0x0  }
0x21: {  	s5 =	sshll.u32 s28, $0x1;
	[dreg:$0x2] =	wrdreg s4  }
0x22: {  	[dreg:$0x3] =	wrdreg s5  }
0x23: {  	[dreg:$0x4] =	wrdreg $0xC0  }
0x24: {  	_ =	task [dreg:s8], $0x5FFFF  }
0x25: {  	[dreg:$0x1] =	wrdreg $0xFFFFFFFF  }
0x26: {  	[dreg:$0x0] =	wrdreg $0x60  }
0x27: {  	[dreg:$0x2] =	wrdreg s2  }
0x28: {  	[dreg:$0x3] =	wrdreg s20  }
0x29: {  	[dreg:$0x4] =	wrdreg $0x9  }
0x2a: {  	_ =	task.clear_ibuf [dreg:s8], $0x5FFFF;
	_ =	strace $0x90000046  }
0x2b: {  	s29 =	simm.s32 $0x9;
	_ =	strace $0x80000048  }
0x2c: {  	_ =	swait.ge [sflag:s29], $0x1  }
0x2d: {  	[sflag:s29] =	ssyncadd.s32 $0xFFFFFFFF  }
0x2e: {  	_ =	strace $0x90000048  }
0x2f: {  	_ =	sfence  }
0x30: {  	s30 =	sld [smem:$0x0];
	_ =	sdelay $0x2  }
0x31: {  	s31 =	sshll.u32 s1, $0xD;
	s1 =	sshrl.u32 s1, $0x2  }
0x32: {  	s3 =	sand.u32 $0x4000, s31;
	s1 =	sadd.s32 s1, s30  }
0x33: {  	s0 =	sor.u32 s3, s0;
	s1 =	sshll.u32 s1, $0x11  }
0x34: {  	s0 =	sor.u32 s1, s0  }
0x35: {  	s0 =	sadd.s32 $0x8F2B, s0  }
0x36: {  	[sflag:s0] =	ssyncadd.remote.s32 $0x1  }
0x37: {  	_ =	sfence.sel $0xFFFF  }
0x38: {  	[dreg:$0x0] =	wrdreg $0xFFFFFFFF;
	(pc) =	sbr.abs _section_cstart, $3  }
0x39: {  	[dreg:$0x1] =	wrdreg $0xFFFFFFFF  }
0x3a: {  	_ =	task.clear_ibuf [dreg:s8], $0x2FFFF;
	_ =	strace $0x9FFFFFFF  }
0x3b: {  	(tm) =	ssettm $0x7FFFFFFF  }
tec
execute0_lowered:
.L_overlay_start_1:
0x0: {  	(tag) =	ssettag $0x1  }
0x1: {  	s0 =	stileid.u32  }
0x2: {  	s3 =	rddreg [dreg:$0x0];
	s8 =	srdreg.scid;
	s31 =	simm.s32 $0x2  }
0x3: {  	s21 =	simm.s32 $0x0;
	s11 =	simm.s32 $0x5400;
	s24 =	simm.s32 $0x0  }
0x4: {  	s19 =	simm.s32 $0x0;
	s20 =	simm.s32 $0x0;
	s22 =	simm.s32 $0x0  }
0x5: {  	s23 =	simm.s32 $0x0;
	s12 =	simm.s32 $0x0;
	s13 =	simm.s32 $0x0  }
0x6: {  	s14 =	simm.s32 $0x0;
	s1 =	sand.u32 $0x1, s0;
	s2 =	sshrl.u32 s0, $0x1  }
0x7: {  	s18 =	simm.s32 $0x0;
	s2 =	sand.u32 $0x1, s2;
	s4 =	ssub.s32 $0x2, s1  }
0x8: {  	s29 =	sshll.u32 s0, $0x1;
	s5 =	sshrl.u32 s4, $0x1;
	s6 =	ssub.s32 $0x2, s2  }
0x9: {  	s4 =	sand.u32 $0x1, s4;
	s7 =	sshrl.u32 s6, $0x1;
	s6 =	sand.u32 $0x1, s6  }
0xa: {  	s30 =	sshll.u32 s8, $0x5;
	s4 =	sadd.s32 s4, s5;
	s28 =	sadd.s32 s6, s7  }
0xb: {  	s8 =	simm.s32 $0x1;
	s17 =	smov.u32 s1;
	s4 =	smul.u32 s28, s4  }
.Ltmp0:
0xc: {  	s5 =	rddreg [dreg:$0x1];
	s6 =	sor.u32 s29, s30;
	(pc) =	sbr.rel .LBB1_1-.Ltmp0, $4  }
0xd: {  	_ =	strace $0x80000047;
	s6 =	sand.u32 $0x38, s6;
	s7 =	smul.u32 $0x15, s4  }
0xe: {  	s16 =	smov.u32 s2;
	[sflag:s8] =	ssyncpa.u1 $0x0;
	p0 =	seq.s32 s6, $0x38  }
0xf: {  	s9 =	sadd.s32 $0x24C00, s5;
	[sflag:s31] =	ssyncpa.u1 $0x0;
	s7 =	simm.s32 @p0 $0x0  }
0x10: {  	s15 =	smov.u32 s6;
	p0 =	por $0x0, $0x0;
	s10 =	sadd.s32 $0x1, s7  }
.LBB1_9:
0x11: {  	s4 =	sadd.s32 $0x80, s12  }
0x12: {  	s19 =	sadd.s32 $0x8, s13;
	s25 =	smov.u32 s13;
	p2 =	sgt.s32 s4, $0x17F  }
0x13: {  	s25 =	smov.u32 @p2 s19  }
0x14: {  	s26 =	smov.u32 s14;
	s19 =	sadd.s32 $0x2, s14;
	p3 =	sgt.s32 s25, $0x37  }
0x15: {  	s27 =	smov.u32 s15;
	s26 =	smov.u32 @p3 s19  }
0x16: {  	s28 =	smov.u32 s16;
	s19 =	sadd.s32 $0x40, s15;
	p4 =	sgt.s32 s26, $0x1  }
0x17: {  	p1 =	slt.u32 s18, $0x2;
	s29 =	smov.u32 s17;
	s27 =	smov.u32 @p4 s19  }
0x18: {  	s21 =	smov.u32 s12;
	s19 =	sadd.s32 $0x2, s16;
	p5 =	sgt.s32 s27, $0x37  }
0x19: {  	s24 =	smov.u32 s13;
	s20 =	smov.u32 s15;
	s28 =	smov.u32 @p5 s19  }
0x1a: {  	s4 =	simm.s32 @p2 $0x0;
	s19 =	sadd.s32 $0x2, s17;
	p2 =	sgt.s32 s28, $0x1  }
0x1b: {  	s22 =	smov.u32 s16;
	s23 =	smov.u32 s17;
	s29 =	smov.u32 @p2 s19  }
0x1c: {  	s30 =	simm.s32 @!p1 $0x2;
	s28 =	smov.u32 @p2 s2;
	p2 =	sgt.s32 s29, $0x1  }
0x1d: {  	_ =	swait.ge @!p1 [sflag:s30], $0x4000;
	s29 =	smov.u32 @p2 s1;
	p2 =	sne.s32 s18, s10  }
.Ltmp1:
0x1e: {  	p0 =	por !p0, !p0;
	[sflag:s30] =	ssyncset.done @!p1 $0x0;
	(pc) =	sbr.rel @!p2 .LBB1_10-.Ltmp1, $4  }
0x1f: {  	s12 =	smov.u32 s4;
	s25 =	simm.s32 @p3 $0x0;
	[sflag:s30] =	ssyncadd.s32 @!p1 $0xFFFFC000  }
0x20: {  	s13 =	smov.u32 s25;
	s26 =	simm.s32 @p4 $0x0;
	s27 =	smov.u32 @p5 s6  }
0x21: {  	s15 =	smov.u32 s27;
	s19 =	smov.u32 s14;
	s14 =	smov.u32 s26  }
0x22: {  	s16 =	smov.u32 s28;
	s18 =	sadd.s32 $0x1, s18;
	s17 =	smov.u32 s29  }
.LBB1_1:
0x23: {  	p1 =	sge.u32 s18, s7  }
0x24: {  	s4 =	sshrl.u32 @!p1 s13, $0x3  }
0x25: {  	s25 =	sshll.u32 @!p1 s12, $0x3;
	s4 =	smul.u32 @!p1 $0xC00, s4  }
0x26: {  	s26 =	sshll.u32 @!p1 s13, $0x7;
	s25 =	sand.u32 @!p1 $0xFFFFFC00, s25  }
0x27: {  	s4 =	sadd.s32 @!p1 s4, s25;
	s25 =	sand.u32 @!p1 $0x380, s26  }
0x28: {  	s28 =	smul.u32 @!p1 $0x93000, s17;
	s26 =	sand.u32 @!p1 $0x7F, s12;
	s4 =	sor.u32 @!p1 s25, s4  }
0x29: {  	s25 =	sor.u32 @!p1 s26, s4;
	s4 =	smulhi.u32 @!p1 $0xAAAAAAAB, s4  }
0x2a: {  	s26 =	smulhi.u32 @!p1 $0xAAAAAAAB, s25  }
0x2b: {  	s30 =	smul.u32 @!p1 $0x49800, s16;
	s4 =	sshrl.u32 @!p1 s4, $0x8  }
0x2c: {  	s26 =	sshrl.u32 @!p1 s26, $0x8;
	s27 =	smulhi.u32 @!p1 $0x4924925, s4  }
0x2d: {  	s26 =	smul.u32 @!p1 $0x180, s26  }
0x2e: {  	s29 =	sxor.u32 @!p1 $0xFFFFFFFF, s18;
	s28 =	sadd.s32 @!p1 s3, s28;
	s27 =	smul.u32 @!p1 $0x38, s27  }
0x2f: {  	s31 =	smul.u32 @!p1 $0x1500, s15;
	s29 =	sshll.u32 @!p1 s29, $0xE;
	s28 =	sadd.s32 @!p1 s30, s28  }
0x30: {  	s25 =	ssub.s32 @!p1 s25, s26;
	s4 =	ssub.s32 @!p1 s4, s27;
	s27 =	smul.u32 @!p1 $0xA80, s14  }
0x31: {  	s26 =	sadd.s32 @!p1 s31, s28;
	s28 =	sand.u32 @!p1 $0x4000, s29;
	s4 =	smul.u32 @!p1 $0x30, s4  }
0x32: {  	s31 =	sadd.s32 $0xFFFFFFFF, s18;
	s26 =	sadd.s32 @!p1 s27, s26;
	s27 =	sand.u32 @!p1 $0x7, s25  }
0x33: {  	s25 =	sshrl.u32 @!p1 s25, $0x3;
	s4 =	sadd.s32 @!p1 s4, s26;
	s26 =	sshll.u32 @!p1 s27, $0x12  }
0x34: {  	s4 =	sadd.s32 @!p1 s25, s4;
	s25 =	sor.u32 @!p1 $0x400, s26;
	s26 =	simm.s32 @!p1 $0x5400  }
0x35: {  	[tilespmem:s28], [sflag:$0x1] =	stream.strided.gather @!p1 [hbm4b:s4+s25], $0x4000, s26, s25, $0x38;
	[tilespmem:$0x10000] =	vst v63  }
0x36: {  	p1 =	sge.u32 s31, s7  }
.Ltmp2:
0x37: {  	_ = 	snop;
	(pc) =	sbr.rel @p1 .LBB1_9-.Ltmp2, $1  }
0x38: {  	_ =	sdelay $0x3  }
0x39: {  	s4 =	simm.s32 $0x1;
	_ =	swait.ge [sflag:s8], $0x4000  }
0x3a: {  	s31 =	sshll.u32 s18, $0xE;
	s29 =	simm.s32 $0x0;
	s4 =	simm.s32 @!p0 $0x0  }
0x3b: {  	[sflag:s8] =	ssyncset.done $0x0;
	s25 =	sand.u32 $0x4000, s31;
	s27 =	sshll.u32 s4, $0xE  }
0x3c: {  	[sflag:s8] =	ssyncadd.s32 $0xFFFFC000;
	s26 =	sor.u32 $0x8000, s25;
	s28 =	sor.u32 $0x8070, s27  }
.LBB1_3:
0x3d: {  	p2 =	por $0x1, $0x1;
	s4 =	simm.s32 $0x0  }
.LBB1_4:
0x3e: {  	s30 =	sshll.u32 s4, $0xA  }
0x3f: {  	s30 =	sand.u32 $0x3FFFFC00, s30  }
0x40: {  	s30 =	sadd.s32 s30, s27  }
0x41: {  	v0 =	vmov s30;
	_ =	sdelay $0x2  }
0x42: {  	s4 =	sshll.u32 s4, $0xD  }
0x43: {  	s4 =	sand.u32 $0x3FFFE000, s4;
	s30 =	simm.s32 $0x0  }
0x44: {  	s4 =	sadd.s32 s4, s28;
	v7 =	vld.idx.msk [tilespmem:v0+s30+$0x70 ss:$0x1], $0xffff  }
0x45: {  	v1 =	vmov s4;
	v8 =	vld.idx.msk [tilespmem:v0+s30+$0x0 ss:$0x1], $0xffff  }
0x46: {  	v6 =	vld.idx.msk [tilespmem:v0+s30+$0x10 ss:$0x1], $0xffff  }
0x47: {  	v5 =	vld.idx.msk [tilespmem:v0+s30+$0x20 ss:$0x1], $0xffff  }
0x48: {  	v4 =	vld.idx.msk [tilespmem:v0+s30+$0x30 ss:$0x1], $0xffff  }
0x49: {  	v2 =	vld.idx.msk [tilespmem:v0+s30+$0x40 ss:$0x1], $0xffff  }
0x4a: {  	v3 =	vld.idx.msk [tilespmem:v0+s30+$0x50 ss:$0x1], $0xffff;
	[tilespmem:v1+s30+$0x0 ss:$0x1] =	vst.idx.msk $0xffff, v7  }
0x4b: {  	p1 =	por p2, p2;
	s31 =	simm.s32 $0x80;
	s4 =	simm.s32 $0x400;
	[tilespmem:v1+s30+$0xFFFFFF90 ss:$0x1] =	vst.idx.msk $0xffff, v8;
	v7 =	vld.idx.msk [tilespmem:v0+s30+$0x60 ss:$0x1], $0xffff  }
.LBB1_5:
0x4c: {  	p2 =	sne.s32 s4, $0xE00;
	v8 =	vld.idx.msk [tilespmem:v0+s31+$0x70 ss:$0x1], $0xffff;
	[tilespmem:v1+s30+$0xFFFFFFA0 ss:$0x1] =	vst.idx.msk $0xffff, v6  }
0x4d: {  	v9 =	vld.idx.msk [tilespmem:v0+s31+$0x0 ss:$0x1], $0xffff;
	[tilespmem:v1+s30+$0xFFFFFFB0 ss:$0x1] =	vst.idx.msk $0xffff, v5  }
0x4e: {  	v6 =	vld.idx.msk [tilespmem:v0+s31+$0x10 ss:$0x1], $0xffff;
	[tilespmem:v1+s30+$0xFFFFFFC0 ss:$0x1] =	vst.idx.msk $0xffff, v4  }
.Ltmp3:
0x4f: {  	v5 =	vld.idx.msk [tilespmem:v0+s31+$0x20 ss:$0x1], $0xffff;
	[tilespmem:v1+s30+$0xFFFFFFD0 ss:$0x1] =	vst.idx.msk $0xffff, v2;
	(pc) =	sbr.rel @p2 .LBB1_5-.Ltmp3, $4  }
0x50: {  	v4 =	vld.idx.msk [tilespmem:v0+s31+$0x30 ss:$0x1], $0xffff;
	[tilespmem:v1+s30+$0xFFFFFFE0 ss:$0x1] =	vst.idx.msk $0xffff, v3  }
0x51: {  	v2 =	vld.idx.msk [tilespmem:v0+s31+$0x40 ss:$0x1], $0xffff;
	[tilespmem:v1+s30+$0xFFFFFFF0 ss:$0x1] =	vst.idx.msk $0xffff, v7;
	s30 =	smov.u32 s31  }
0x52: {  	v3 =	vld.idx.msk [tilespmem:v0+s30+$0x50 ss:$0x1], $0xffff;
	[tilespmem:v1+s30+$0x0 ss:$0x1] =	vst.idx.msk $0xffff, v8  }
0x53: {  	s31 =	sshra.s32 s4, $0x2;
	s4 =	sadd.s32 $0x200, s4;
	[tilespmem:v1+s30+$0xFFFFFF90 ss:$0x1] =	vst.idx.msk $0xffff, v9;
	v7 =	vld.idx.msk [tilespmem:v0+s30+$0x60 ss:$0x1], $0xffff  }
0x54: {  	_ =	sdelay $0x3  }
0x55: {  	[tilespmem:v1+s30+$0xFFFFFFA0 ss:$0x1] =	vst.idx.msk $0xffff, v6  }
0x56: {  	v56 =	vld.idx.msk [tilespmem:v0+s31+$0x70 ss:$0x1], $0xffff;
	[tilespmem:v1+s30+$0xFFFFFFB0 ss:$0x1] =	vst.idx.msk $0xffff, v5  }
0x57: {  	v57 =	vld.idx.msk [tilespmem:v0+s31+$0x0 ss:$0x1], $0xffff;
	[tilespmem:v1+s30+$0xFFFFFFC0 ss:$0x1] =	vst.idx.msk $0xffff, v4  }
0x58: {  	v58 =	vld.idx.msk [tilespmem:v0+s31+$0x10 ss:$0x1], $0xffff;
	[tilespmem:v1+s30+$0xFFFFFFD0 ss:$0x1] =	vst.idx.msk $0xffff, v2  }
0x59: {  	v59 =	vld.idx.msk [tilespmem:v0+s31+$0x20 ss:$0x1], $0xffff;
	[tilespmem:v1+s30+$0xFFFFFFE0 ss:$0x1] =	vst.idx.msk $0xffff, v3  }
0x5a: {  	v60 =	vld.idx.msk [tilespmem:v0+s31+$0x30 ss:$0x1], $0xffff;
	[tilespmem:v1+s30+$0xFFFFFFF0 ss:$0x1] =	vst.idx.msk $0xffff, v7  }
0x5b: {  	v61 =	vld.idx.msk [tilespmem:v0+s31+$0x40 ss:$0x1], $0xffff;
	[tilespmem:v1+s31+$0x0 ss:$0x1] =	vst.idx.msk $0xffff, v56  }
0x5c: {  	v62 =	vld.idx.msk [tilespmem:v0+s31+$0x50 ss:$0x1], $0xffff;
	[tilespmem:v1+s31+$0xFFFFFF90 ss:$0x1] =	vst.idx.msk $0xffff, v57  }
0x5d: {  	v63 =	vld.idx.msk [tilespmem:v0+s31+$0x60 ss:$0x1], $0xffff;
	[tilespmem:v1+s31+$0xFFFFFFA0 ss:$0x1] =	vst.idx.msk $0xffff, v58  }
.Ltmp4:
0x5e: {  	[tilespmem:v1+s31+$0xFFFFFFB0 ss:$0x1] =	vst.idx.msk $0xffff, v59;
	(pc) =	sbr.rel @p1 .LBB1_4-.Ltmp4, $4  }
0x5f: {  	[tilespmem:v1+s31+$0xFFFFFFC0 ss:$0x1] =	vst.idx.msk $0xffff, v60  }
0x60: {  	[tilespmem:v1+s31+$0xFFFFFFD0 ss:$0x1] =	vst.idx.msk $0xffff, v61  }
0x61: {  	[tilespmem:v1+s31+$0xFFFFFFE0 ss:$0x1] =	vst.idx.msk $0xffff, v62  }
0x62: {  	s4 =	simm.s32 $0x1;
	p2 =	por $0x0, $0x0;
	[tilespmem:v1+s31+$0xFFFFFFF0 ss:$0x1] =	vst.idx.msk $0xffff, v63  }
0x63: {  	s29 =	sadd.s32 $0x1, s29  }
0x64: {  	p1 =	sne.s32 s29, $0x8  }
.Ltmp5:
0x65: {  	_ = 	snop;
	(pc) =	sbr.rel @p1 .LBB1_3-.Ltmp5, $2  }
0x66: {  	_ =	sdelay $0x2  }
0x67: {  	s28 =	sadd.s32 $0x400, s28;
	s27 =	sadd.s32 $0x800, s27  }
0x68: {  	s4 =	sshrl.u32 s24, $0x3  }
0x69: {  	s27 =	sshll.u32 s21, $0x3;
	s4 =	smul.u32 $0xC00, s4  }
0x6a: {  	s31 =	sshll.u32 s24, $0x7;
	s27 =	sand.u32 $0xFFFFFC00, s27  }
0x6b: {  	s23 =	smul.u32 $0x93000, s23;
	s24 =	sand.u32 $0x380, s31;
	s4 =	sadd.s32 s4, s27  }
0x6c: {  	s28 =	sand.u32 $0x7F, s21;
	s22 =	smul.u32 $0x49800, s22;
	s4 =	sor.u32 s24, s4  }
0x6d: {  	s21 =	sor.u32 s28, s4;
	s4 =	smulhi.u32 $0xAAAAAAAB, s4  }
0x6e: {  	s20 =	smul.u32 $0xA80, s20  }
0x6f: {  	s29 =	smulhi.u32 $0xAAAAAAAB, s21;
	s4 =	sshrl.u32 s4, $0x8  }
0x70: {  	s30 =	smulhi.u32 $0x4924925, s4  }
0x71: {  	s19 =	smul.u32 $0x24C00, s19  }
0x72: {  	s22 =	sadd.s32 s23, s22;
	s24 =	sshrl.u32 s29, $0x8;
	s27 =	smul.u32 $0x38, s30  }
0x73: {  	s23 =	sadd.s32 s5, s22;
	s22 =	sadd.s32 s22, s9;
	s24 =	smul.u32 $0x180, s24  }
0x74: {  	s23 =	sadd.s32 s20, s23;
	s20 =	sadd.s32 s20, s22;
	s4 =	ssub.s32 s4, s27  }
0x75: {  	s23 =	sadd.s32 s19, s23;
	s21 =	ssub.s32 s21, s24;
	s4 =	smul.u32 $0x30, s4  }
0x76: {  	s19 =	sadd.s32 s19, s20;
	s24 =	sand.u32 $0x7, s21;
	s21 =	sshrl.u32 s21, $0x3  }
.Ltmp6:
0x77: {  	s24 =	sshll.u32 s24, $0x12;
	s23 =	sadd.s32 s4, s23;
	(pc) =	sbr.rel .LBB1_9-.Ltmp6, $4  }
0x78: {  	s24 =	sor.u32 $0x400, s24;
	s4 =	sadd.s32 s4, s19;
	s23 =	sadd.s32 s21, s23  }
0x79: {  	[hbm4b:s23+s24] =	stream.strided.scatter [tilespmem:s26], [sflag:$0x2], $0x2000, s11, s24, $0x38;
	[tilespmem:$0x10000] =	vst v63  }
0x7a: {  	s31 =	sadd.s32 $0xA000, s25;
	s4 =	sadd.s32 s21, s4  }
0x7b: {  	[hbm4b:s4+s24] =	stream.strided.scatter [tilespmem:s31], [sflag:$0x2], $0x2000, s11, s24, $0x38;
	[tilespmem:$0x10000] =	vst v63  }
.LBB1_10:
0x7c: {  	_ =	sfence.sel $0x180000  }
0x7d: {  	s1 =	simm.s32 $0x1;
	[bflag:$0x0] =	sbarrier.arrive $0xFFFF  }
0x7e: {  	s31 =	simm.s32 $0x2;
	[sflag:s1] =	ssyncpa.u1 $0x1  }
0x7f: {  	[sflag:s31] =	ssyncpa.u1 $0x1  }
0x80: {  	_ =	strace $0x90000047  }
0x81: {  	[bflag:$0x2] =	sbarrier.arrive $0xFFFF  }
0x82: {  	p0 =	sne.s32 s0, $0x0;
	s0 =	rddreg [dreg:$0x2]  }
0x83: {  	s0 =	sadd.s32 @!p0 $0x100000, s0  }
0x84: {  	[sflag:s0] =	ssyncadd.tile.s32 @!p0 $0x1;
	_ =	shalt  }
.Lfunc_end1:
_tile_overlayer_lowered:
.L_overlay_start_2:
0x85: {  	(tag) =	ssettag $0x2  }
0x86: {  	s0 =	rddreg [dreg:$0x0];
	s2 =	stileid.u32  }
0x87: {  	s1 =	rddreg [dreg:$0x1];
	p0 =	sne.s32 s2, $0x0  }
0x88: {  	s3 =	rddreg [dreg:$0x2];
	[bflag:$0x3] =	sbarrier.arrive $0xFFFF;
	s2 =	simm.s32 @!p0 $0x1C01  }
0x89: {  	[timem:s3], [sflag:s2] =	dma.local @!p0 [hbm:s0], s1  }
0x8a: {  	s0 =	simm.s32 @!p0 $0x1  }
0x8b: {  	_ =	swait.ge @!p0 [sflag:s0], s1  }
0x8c: {  	s1 =	ssub.s32 @!p0 $0x0, s1;
	[sflag:s0] =	ssyncset.done @!p0 $0x0  }
0x8d: {  	[sflag:s0] =	ssyncadd.s32 @!p0 s1  }
0x8e: {  	[bflag:$0x3] =	sbarrier.arrive $0xFFFF  }
0x8f: {  	_ =	shalt  }

// kernel: sparse-core-data-format-call.cloned.1.call-start
scs
called_computation_lowered:
.L_overlay_start_0:
0x0: {  	s2 =	sld [smem:$0x3FD9]  }
0x1: {  	s3 =	sld [smem:$0x3FFE];
	_ =	sdelay $0x1  }
0x2: {  	s1 =	srdreg.scid  }
0x3: {  	s0 =	sand.u32 $0x1, s1  }
0x4: {  	s18 =	sshll.u32 s0, $0xA;
	s2 =	sadd.s32 s3, s2  }
0x5: {  	s2 =	sadd.s32 s2, s18  }
0x6: {  	[smem:$0x3FB9] =	sst s2  }
0x7: {  	_ = 	snop  }
0x8: {  	s2 =	sld [smem:$0x3FD0];
	(tm) =	ssettm $0x1  }
0x9: {  	s19 =	sld [smem:$0x3FFB];
	_ =	sdelay $0x3  }
0xa: {  	_ =	strace s19  }
0xb: {  	s3 =	sld [smem:$0x3FFC];
	_ =	sdelay $0x3  }
0xc: {  	_ =	strace s3  }
0xd: {  	s3 =	sld [smem:$0x3FFD];
	_ =	sdelay $0x3  }
0xe: {  	_ =	strace s3  }
0xf: {  	_ =	strace $0x8FFFFFFF  }
0x10: {  	s20 =	sld [smem:$0x3FDB];
	_ =	sdelay $0x1  }
0x11: {  	s4 =	simm.s32 $_scs_section_size  }
0x12: {  	s5 =	simm.s32 $_size__tile_overlayer_lowered;
	s6 =	simm.s32 $_tile_overlayer_lowered  }
0x13: {  	s23 =	simm.s32 $0x1BFF;
	s22 =	sshll.u32 s6, $0x1;
	s3 =	sadd.s32 s4, s20  }
0x14: {  	s7 =	simm.s32 $0x0;
	s21 =	sshll.u32 s5, $0x1;
	s5 =	sadd.s32 s22, s3  }
0x15: {  	[timem:s7], [sflag:s23] =	dma.local [hbm:s5], s21  }
0x16: {  	_ =	swait.ge [sflag:s23], s21  }
0x17: {  	s4 =	ssub.s32 $0x0, s21;
	[sflag:s23] =	ssyncset.done $0x0  }
0x18: {  	[sflag:s23] =	ssyncadd.s32 s4;
	_ =	sdelay $0x1  }
0x19: {  	s24 =	simm.s32 $0x1B8B  }
0x1a: {  	_ =	swait.ge [sflag:s24], $0x1  }
0x1b: {  	[sflag:s24] =	ssyncset.done $0x0  }
0x1c: {  	s26 =	simm.s32 $0x1B8E;
	s25 =	sld [smem:$0x3FFE];
	[sflag:s24] =	ssyncadd.s32 $0xFFFFFFFF  }
0x1d: {  	s27 =	simm.s32 $execute0_lowered;
	[smem:$0x3FD2] =	sst s26  }
0x1e: {  	s5 =	sshll.u32 s27, $0x1;
	_ =	strace $0x80000049;
	[dreg:$0x1] =	wrdreg $0xFFFFFFFF  }
0x1f: {  	s28 =	simm.s32 $_size_execute0_lowered;
	s3 =	sadd.s32 s3, s5;
	[dreg:$0x0] =	wrdreg $0x0  }
0x20: {  	s5 =	sshll.u32 s28, $0x1;
	[dreg:$0x2] =	wrdreg s3  }
0x21: {  	[dreg:$0x3] =	wrdreg s5  }
0x22: {  	[dreg:$0x4] =	wrdreg $0xC0  }
0x23: {  	_ =	task [dreg:s7], $0x5FFFF  }
0x24: {  	[dreg:$0x1] =	wrdreg $0xFFFFFFFF  }
0x25: {  	[dreg:$0x0] =	wrdreg $0x60  }
0x26: {  	[dreg:$0x2] =	wrdreg s25  }
0x27: {  	[dreg:$0x3] =	wrdreg s2  }
0x28: {  	[dreg:$0x4] =	wrdreg $0x9  }
0x29: {  	_ =	task.clear_ibuf [dreg:s7], $0x5FFFF;
	_ =	strace $0x90000049  }
0x2a: {  	s29 =	simm.s32 $0x9;
	_ =	strace $0x8000004B  }
0x2b: {  	_ =	swait.ge [sflag:s29], $0x1  }
0x2c: {  	[sflag:s29] =	ssyncadd.s32 $0xFFFFFFFF  }
0x2d: {  	_ =	strace $0x9000004B  }
0x2e: {  	_ =	sfence  }
0x2f: {  	s30 =	sld [smem:$0x0];
	_ =	sdelay $0x2  }
0x30: {  	s31 =	sshll.u32 s1, $0xD;
	s1 =	sshrl.u32 s1, $0x2  }
0x31: {  	s3 =	sand.u32 $0x4000, s31;
	s1 =	sadd.s32 s1, s30  }
0x32: {  	s0 =	sor.u32 s3, s0;
	s1 =	sshll.u32 s1, $0x11  }
0x33: {  	s0 =	sor.u32 s1, s0  }
0x34: {  	s0 =	sadd.s32 $0x8F2B, s0  }
0x35: {  	[sflag:s0] =	ssyncadd.remote.s32 $0x1  }
0x36: {  	_ =	sfence.sel $0xFFFF  }
0x37: {  	[dreg:$0x0] =	wrdreg $0xFFFFFFFF;
	(pc) =	sbr.abs _section_cstart, $3  }
0x38: {  	[dreg:$0x1] =	wrdreg $0xFFFFFFFF  }
0x39: {  	_ =	task.clear_ibuf [dreg:s7], $0x2FFFF;
	_ =	strace $0x9FFFFFFF  }
0x3a: {  	(tm) =	ssettm $0x7FFFFFFF  }
0x3b: {  	_ =	shalt  }
tec
execute0_lowered:
.L_overlay_start_1:
0x0: {  	(tag) =	ssettag $0x1  }
0x1: {  	s9 =	stileid.u32;
	s4 =	rddreg [dreg:$0x0]  }
0x2: {  	s3 =	rddreg [dreg:$0x1];
	s8 =	srdreg.scid;
	_ =	strace $0x8000004A  }
0x3: {  	s31 =	simm.s32 $0x2;
	s22 =	simm.s32 $0x0;
	s11 =	simm.s32 $0x5400  }
0x4: {  	s24 =	simm.s32 $0x0;
	s19 =	simm.s32 $0x0;
	s20 =	simm.s32 $0x0  }
0x5: {  	s21 =	simm.s32 $0x0;
	s23 =	simm.s32 $0x0;
	s12 =	simm.s32 $0x0  }
0x6: {  	s13 =	simm.s32 $0x0;
	s1 =	sand.u32 $0x1, s9;
	s0 =	sshrl.u32 s9, $0x1  }
0x7: {  	s15 =	simm.s32 $0x0;
	s2 =	sand.u32 $0x1, s0;
	s26 =	ssub.s32 $0x2, s1  }
0x8: {  	s18 =	simm.s32 $0x0;
	s5 =	sshrl.u32 s26, $0x1;
	s6 =	ssub.s32 $0x2, s2  }
0x9: {  	s0 =	sand.u32 $0x1, s26;
	s7 =	sshrl.u32 s6, $0x1;
	s6 =	sand.u32 $0x1, s6  }
0xa: {  	s28 =	sshll.u32 s9, $0x1;
	s0 =	sadd.s32 s0, s5;
	s27 =	sadd.s32 s6, s7  }
0xb: {  	s29 =	sshll.u32 s8, $0x5;
	s8 =	simm.s32 $0x1;
	s0 =	smul.u32 s27, s0  }
.Ltmp0:
0xc: {  	s9 =	sadd.s32 $0x27400, s4;
	s30 =	sor.u32 s28, s29;
	(pc) =	sbr.rel .LBB1_1-.Ltmp0, $4  }
0xd: {  	[sflag:s8] =	ssyncpa.u1 $0x0;
	s5 =	sand.u32 $0x38, s30;
	s6 =	smul.u32 $0x15, s0  }
0xe: {  	s17 =	smov.u32 s1;
	[sflag:s31] =	ssyncpa.u1 $0x0;
	p0 =	seq.s32 s5, $0x38  }
0xf: {  	s16 =	smov.u32 s2;
	s7 =	sadd.s32 $0x2800, s4;
	s6 =	simm.s32 @p0 $0x0  }
0x10: {  	s14 =	smov.u32 s5;
	p0 =	por $0x0, $0x0;
	s10 =	sadd.s32 $0x1, s6  }
.LBB1_9:
0x11: {  	s0 =	sadd.s32 $0x80, s12  }
0x12: {  	s4 =	sadd.s32 $0x8, s13;
	s25 =	smov.u32 s13;
	p2 =	sgt.s32 s0, $0x17F  }
0x13: {  	s25 =	smov.u32 @p2 s4  }
0x14: {  	s26 =	smov.u32 s14;
	s4 =	sadd.s32 $0x40, s14;
	p3 =	sgt.s32 s25, $0x37  }
0x15: {  	s27 =	smov.u32 s15;
	s26 =	smov.u32 @p3 s4  }
0x16: {  	s28 =	smov.u32 s16;
	s4 =	sadd.s32 $0x2, s15;
	p4 =	sgt.s32 s26, $0x37  }
0x17: {  	p1 =	slt.u32 s18, $0x2;
	s29 =	smov.u32 s17;
	s27 =	smov.u32 @p4 s4  }
0x18: {  	s22 =	smov.u32 s12;
	s4 =	sadd.s32 $0x2, s16;
	p5 =	sgt.s32 s27, $0x1  }
0x19: {  	s24 =	smov.u32 s13;
	s19 =	smov.u32 s14;
	s28 =	smov.u32 @p5 s4  }
0x1a: {  	s0 =	simm.s32 @p2 $0x0;
	s4 =	sadd.s32 $0x2, s17;
	p2 =	sgt.s32 s28, $0x1  }
0x1b: {  	s20 =	smov.u32 s15;
	s21 =	smov.u32 s16;
	s29 =	smov.u32 @p2 s4  }
0x1c: {  	s23 =	smov.u32 s17;
	s28 =	smov.u32 @p2 s2;
	p2 =	sgt.s32 s29, $0x1  }
0x1d: {  	p0 =	por !p0, !p0;
	s29 =	smov.u32 @p2 s1;
	p2 =	sne.s32 s18, s10  }
.Ltmp1:
0x1e: {  	s12 =	smov.u32 s0;
	s25 =	simm.s32 @p3 $0x0;
	(pc) =	sbr.rel @!p2 .LBB1_10-.Ltmp1, $4  }
0x1f: {  	s13 =	smov.u32 s25;
	s26 =	smov.u32 @p4 s5;
	s4 =	simm.s32 @!p1 $0x2  }
0x20: {  	s14 =	smov.u32 s26;
	s27 =	simm.s32 @p5 $0x0;
	_ =	swait.ge @!p1 [sflag:s4], $0x4000  }
0x21: {  	s15 =	smov.u32 s27;
	s16 =	smov.u32 s28;
	[sflag:s4] =	ssyncset.done @!p1 $0x0  }
0x22: {  	s18 =	sadd.s32 $0x1, s18;
	[sflag:s4] =	ssyncadd.s32 @!p1 $0xFFFFC000;
	s17 =	smov.u32 s29  }
.LBB1_1:
0x23: {  	p1 =	sge.u32 s18, s6  }
0x24: {  	s0 =	sshrl.u32 @!p1 s13, $0x3  }
0x25: {  	s4 =	sshll.u32 @!p1 s12, $0x3;
	s0 =	smul.u32 @!p1 $0xC00, s0  }
0x26: {  	s25 =	sshll.u32 @!p1 s13, $0x7;
	s4 =	sand.u32 @!p1 $0xFFFFFC00, s4  }
0x27: {  	s0 =	sadd.s32 @!p1 s0, s4;
	s4 =	sand.u32 @!p1 $0x380, s25  }
0x28: {  	s0 =	sor.u32 @!p1 s4, s0  }
0x29: {  	s4 =	smulhi.u32 @!p1 $0xAAAAAAAB, s0  }
0x2a: {  	s27 =	smul.u32 @!p1 $0x93000, s17  }
0x2b: {  	s28 =	smul.u32 @!p1 $0x49800, s16;
	s25 =	sand.u32 @!p1 $0x7F, s12;
	s4 =	sshrl.u32 @!p1 s4, $0x8  }
0x2c: {  	s0 =	sor.u32 @!p1 s25, s0;
	s25 =	smulhi.u32 @!p1 $0x4924925, s4  }
0x2d: {  	s26 =	smulhi.u32 @!p1 $0xAAAAAAAB, s0  }
0x2e: {  	s25 =	smul.u32 @!p1 $0x38, s25  }
0x2f: {  	s29 =	sxor.u32 @!p1 $0xFFFFFFFF, s18;
	s30 =	smul.u32 @!p1 $0x24C00, s15;
	s26 =	sshrl.u32 @!p1 s26, $0x8  }
0x30: {  	s29 =	sshll.u32 @!p1 s29, $0xE;
	s26 =	smul.u32 @!p1 $0x180, s26;
	s4 =	ssub.s32 @!p1 s4, s25  }
0x31: {  	s25 =	sadd.s32 @!p1 s27, s28;
	s27 =	smul.u32 @!p1 $0xA80, s14;
	s28 =	sadd.s32 @!p1 s7, s30  }
0x32: {  	s0 =	ssub.s32 @!p1 s0, s26;
	s4 =	smul.u32 @!p1 $0x30, s4;
	s26 =	sadd.s32 @!p1 s25, s28  }
0x33: {  	s28 =	sand.u32 @!p1 $0x4000, s29;
	s29 =	sand.u32 @!p1 $0x7, s0;
	s26 =	sadd.s32 @!p1 s27, s26  }
0x34: {  	s0 =	sshrl.u32 @!p1 s0, $0x3;
	s29 =	sshll.u32 @!p1 s29, $0x12;
	s26 =	sadd.s32 @!p1 s4, s26  }
0x35: {  	s31 =	simm.s32 @!p1 $0x5400;
	s29 =	sor.u32 @!p1 $0x400, s29;
	s26 =	sadd.s32 @!p1 s0, s26  }
0x36: {  	[tilespmem:s28], [sflag:$0x1] =	stream.strided.gather @!p1 [hbm4b:s26+s29], $0x2000, s31, s29, $0x38;
	[tilespmem:$0x10000] =	vst v63  }
0x37: {  	s26 =	sadd.s32 @!p1 s30, s9  }
0x38: {  	s25 =	sadd.s32 @!p1 s25, s26  }
0x39: {  	s25 =	sadd.s32 @!p1 s27, s25  }
0x3a: {  	s4 =	sadd.s32 @!p1 s4, s25  }
0x3b: {  	s0 =	sadd.s32 @!p1 s0, s4;
	s4 =	sor.u32 @!p1 $0x2000, s28  }
0x3c: {  	[tilespmem:s4], [sflag:$0x1] =	stream.strided.gather @!p1 [hbm4b:s0+s29], $0x2000, s31, s29, $0x38;
	[tilespmem:$0x10000] =	vst v63  }
0x3d: {  	s31 =	sadd.s32 $0xFFFFFFFF, s18  }
0x3e: {  	p1 =	sge.u32 s31, s6  }
.Ltmp2:
0x3f: {  	_ = 	snop;
	(pc) =	sbr.rel @p1 .LBB1_9-.Ltmp2, $1  }
0x40: {  	_ =	sdelay $0x3  }
0x41: {  	s0 =	simm.s32 $0x1;
	_ =	swait.ge [sflag:s8], $0x4000  }
0x42: {  	s4 =	sshll.u32 s18, $0xE;
	p2 =	por $0x1, $0x1;
	s0 =	simm.s32 @!p0 $0x0  }
0x43: {  	[sflag:s8] =	ssyncset.done $0x0;
	s4 =	sand.u32 $0x4000, s4;
	s0 =	sshll.u32 s0, $0x10  }
0x44: {  	[sflag:s8] =	ssyncadd.s32 $0xFFFFC000;
	s25 =	sor.u32 $0x8000, s4;
	s0 =	sshrl.u32 s0, $0x2  }
0x45: {  	s26 =	sadd.s32 $0x8070, s0;
	s27 =	sadd.s32 $0x40, s0;
	s0 =	simm.s32 $0x0  }
.LBB1_3:
0x46: {  	s4 =	sshll.u32 s0, $0xA;
	s31 =	sshll.u32 s0, $0xD  }
0x47: {  	p1 =	por p2, p2;
	s4 =	sand.u32 $0x3FFFFC00, s4;
	s0 =	sand.u32 $0x3FFFE000, s31  }
0x48: {  	s30 =	simm.s32 $0x0;
	s28 =	sadd.s32 s4, s26;
	s29 =	sadd.s32 s0, s27  }
.LBB1_4:
0x49: {  	v1 =	vmov s29;
	_ =	sdelay $0x3  }
0x4a: {  	s31 =	simm.s32 $0x0  }
0x4b: {  	v7 =	vld.idx.msk [tilespmem:v1+s31+$0x30 ss:$0x1], $0xffff  }
0x4c: {  	v0 =	vmov s28;
	v8 =	vld.idx.msk [tilespmem:v1+s31+$0xFFFFFFC0 ss:$0x1], $0xffff  }
0x4d: {  	v6 =	vld.idx.msk [tilespmem:v1+s31+$0xFFFFFFD0 ss:$0x1], $0xffff  }
0x4e: {  	v5 =	vld.idx.msk [tilespmem:v1+s31+$0xFFFFFFE0 ss:$0x1], $0xffff  }
0x4f: {  	v4 =	vld.idx.msk [tilespmem:v1+s31+$0xFFFFFFF0 ss:$0x1], $0xffff  }
0x50: {  	v2 =	vld.idx.msk [tilespmem:v1+s31+$0x0 ss:$0x1], $0xffff  }
0x51: {  	v3 =	vld.idx.msk [tilespmem:v1+s31+$0x10 ss:$0x1], $0xffff;
	[tilespmem:v0+s31+$0x0 ss:$0x1] =	vst.idx.msk $0xffff, v7  }
0x52: {  	s4 =	simm.s32 $0x80;
	s0 =	simm.s32 $0x400;
	[tilespmem:v0+s31+$0xFFFFFF90 ss:$0x1] =	vst.idx.msk $0xffff, v8;
	v7 =	vld.idx.msk [tilespmem:v1+s31+$0x20 ss:$0x1], $0xffff  }
.LBB1_5:
0x53: {  	p2 =	sne.s32 s0, $0xE00;
	v8 =	vld.idx.msk [tilespmem:v1+s4+$0x30 ss:$0x1], $0xffff;
	[tilespmem:v0+s31+$0xFFFFFFA0 ss:$0x1] =	vst.idx.msk $0xffff, v6  }
0x54: {  	v9 =	vld.idx.msk [tilespmem:v1+s4+$0xFFFFFFC0 ss:$0x1], $0xffff;
	[tilespmem:v0+s31+$0xFFFFFFB0 ss:$0x1] =	vst.idx.msk $0xffff, v5  }
0x55: {  	v6 =	vld.idx.msk [tilespmem:v1+s4+$0xFFFFFFD0 ss:$0x1], $0xffff;
	[tilespmem:v0+s31+$0xFFFFFFC0 ss:$0x1] =	vst.idx.msk $0xffff, v4  }
.Ltmp3:
0x56: {  	v5 =	vld.idx.msk [tilespmem:v1+s4+$0xFFFFFFE0 ss:$0x1], $0xffff;
	[tilespmem:v0+s31+$0xFFFFFFD0 ss:$0x1] =	vst.idx.msk $0xffff, v2;
	(pc) =	sbr.rel @p2 .LBB1_5-.Ltmp3, $4  }
0x57: {  	v4 =	vld.idx.msk [tilespmem:v1+s4+$0xFFFFFFF0 ss:$0x1], $0xffff;
	[tilespmem:v0+s31+$0xFFFFFFE0 ss:$0x1] =	vst.idx.msk $0xffff, v3  }
0x58: {  	v2 =	vld.idx.msk [tilespmem:v1+s4+$0x0 ss:$0x1], $0xffff;
	[tilespmem:v0+s31+$0xFFFFFFF0 ss:$0x1] =	vst.idx.msk $0xffff, v7;
	s31 =	smov.u32 s4  }
0x59: {  	v3 =	vld.idx.msk [tilespmem:v1+s31+$0x10 ss:$0x1], $0xffff;
	[tilespmem:v0+s31+$0x0 ss:$0x1] =	vst.idx.msk $0xffff, v8  }
0x5a: {  	s4 =	sshra.s32 s0, $0x2;
	s0 =	sadd.s32 $0x200, s0;
	[tilespmem:v0+s31+$0xFFFFFF90 ss:$0x1] =	vst.idx.msk $0xffff, v9;
	v7 =	vld.idx.msk [tilespmem:v1+s31+$0x20 ss:$0x1], $0xffff  }
0x5b: {  	_ =	sdelay $0x3  }
0x5c: {  	[tilespmem:v0+s31+$0xFFFFFFA0 ss:$0x1] =	vst.idx.msk $0xffff, v6  }
0x5d: {  	v56 =	vld.idx.msk [tilespmem:v1+s4+$0x30 ss:$0x1], $0xffff;
	[tilespmem:v0+s31+$0xFFFFFFB0 ss:$0x1] =	vst.idx.msk $0xffff, v5  }
0x5e: {  	v57 =	vld.idx.msk [tilespmem:v1+s4+$0xFFFFFFC0 ss:$0x1], $0xffff;
	[tilespmem:v0+s31+$0xFFFFFFC0 ss:$0x1] =	vst.idx.msk $0xffff, v4  }
0x5f: {  	v58 =	vld.idx.msk [tilespmem:v1+s4+$0xFFFFFFD0 ss:$0x1], $0xffff;
	[tilespmem:v0+s31+$0xFFFFFFD0 ss:$0x1] =	vst.idx.msk $0xffff, v2  }
0x60: {  	v59 =	vld.idx.msk [tilespmem:v1+s4+$0xFFFFFFE0 ss:$0x1], $0xffff;
	[tilespmem:v0+s31+$0xFFFFFFE0 ss:$0x1] =	vst.idx.msk $0xffff, v3  }
0x61: {  	v60 =	vld.idx.msk [tilespmem:v1+s4+$0xFFFFFFF0 ss:$0x1], $0xffff;
	[tilespmem:v0+s31+$0xFFFFFFF0 ss:$0x1] =	vst.idx.msk $0xffff, v7  }
0x62: {  	v61 =	vld.idx.msk [tilespmem:v1+s4+$0x0 ss:$0x1], $0xffff;
	[tilespmem:v0+s4+$0x0 ss:$0x1] =	vst.idx.msk $0xffff, v56  }
0x63: {  	v62 =	vld.idx.msk [tilespmem:v1+s4+$0x10 ss:$0x1], $0xffff;
	s30 =	sadd.s32 $0x1, s30;
	[tilespmem:v0+s4+$0xFFFFFF90 ss:$0x1] =	vst.idx.msk $0xffff, v57  }
0x64: {  	v63 =	vld.idx.msk [tilespmem:v1+s4+$0x20 ss:$0x1], $0xffff;
	p2 =	sne.s32 s30, $0x8;
	[tilespmem:v0+s4+$0xFFFFFFA0 ss:$0x1] =	vst.idx.msk $0xffff, v58  }
.Ltmp4:
0x65: {  	[tilespmem:v0+s4+$0xFFFFFFB0 ss:$0x1] =	vst.idx.msk $0xffff, v59;
	(pc) =	sbr.rel @p2 .LBB1_4-.Ltmp4, $4  }
0x66: {  	[tilespmem:v0+s4+$0xFFFFFFC0 ss:$0x1] =	vst.idx.msk $0xffff, v60  }
0x67: {  	[tilespmem:v0+s4+$0xFFFFFFD0 ss:$0x1] =	vst.idx.msk $0xffff, v61  }
0x68: {  	[tilespmem:v0+s4+$0xFFFFFFE0 ss:$0x1] =	vst.idx.msk $0xffff, v62  }
0x69: {  	s28 =	sadd.s32 $0x800, s28;
	s29 =	sadd.s32 $0x400, s29;
	[tilespmem:v0+s4+$0xFFFFFFF0 ss:$0x1] =	vst.idx.msk $0xffff, v63  }
.Ltmp5:
0x6a: {  	(pc) =	sbr.rel @p1 .LBB1_3-.Ltmp5, $2  }
0x6b: {  	_ =	sdelay $0x2  }
0x6c: {  	s0 =	simm.s32 $0x1;
	p2 =	por $0x0, $0x0  }
0x6d: {  	s0 =	sshrl.u32 s24, $0x3  }
0x6e: {  	s4 =	sshll.u32 s22, $0x3;
	s0 =	smul.u32 $0xC00, s0  }
0x6f: {  	s31 =	sshll.u32 s24, $0x7;
	s4 =	sand.u32 $0xFFFFFC00, s4  }
0x70: {  	s26 =	sand.u32 $0x380, s31;
	s0 =	sadd.s32 s0, s4  }
0x71: {  	s27 =	sand.u32 $0x7F, s22;
	s23 =	smul.u32 $0x93000, s23;
	s0 =	sor.u32 s26, s0  }
0x72: {  	s4 =	sor.u32 s27, s0;
	s0 =	smulhi.u32 $0xAAAAAAAB, s0  }
0x73: {  	s21 =	smul.u32 $0x49800, s21  }
0x74: {  	s20 =	smul.u32 $0xA80, s20;
	s0 =	sshrl.u32 s0, $0x8  }
0x75: {  	s28 =	smulhi.u32 $0x4924925, s0  }
0x76: {  	s22 =	smulhi.u32 $0xAAAAAAAB, s4  }
0x77: {  	s24 =	smul.u32 $0x38, s28  }
0x78: {  	s19 =	smul.u32 $0x1500, s19;
	s22 =	sshrl.u32 s22, $0x8  }
0x79: {  	s23 =	sadd.s32 s3, s23;
	s22 =	smul.u32 $0x180, s22;
	s0 =	ssub.s32 s0, s24  }
0x7a: {  	s21 =	sadd.s32 s21, s23;
	s0 =	smul.u32 $0x30, s0  }
.Ltmp6:
0x7b: {  	s20 =	sadd.s32 s20, s21;
	s4 =	ssub.s32 s4, s22;
	(pc) =	sbr.rel .LBB1_9-.Ltmp6, $4  }
0x7c: {  	s19 =	sadd.s32 s19, s20;
	s29 =	sand.u32 $0x7, s4  }
0x7d: {  	s4 =	sshrl.u32 s4, $0x3;
	s30 =	sshll.u32 s29, $0x12;
	s0 =	sadd.s32 s0, s19  }
0x7e: {  	s31 =	sor.u32 $0x400, s30;
	s0 =	sadd.s32 s4, s0  }
0x7f: {  	[hbm4b:s0+s31] =	stream.strided.scatter [tilespmem:s25], [sflag:$0x2], $0x4000, s11, s31, $0x38;
	[tilespmem:$0x10000] =	vst v63  }
.LBB1_10:
0x80: {  	_ =	sfence.sel $0x180000  }
0x81: {  	s0 =	simm.s32 $0x1;
	[bflag:$0x0] =	sbarrier.arrive $0xFFFF  }
0x82: {  	s30 =	simm.s32 $0x2;
	[sflag:s0] =	ssyncpa.u1 $0x1  }
0x83: {  	[sflag:s30] =	ssyncpa.u1 $0x1  }
0x84: {  	_ =	strace $0x9000004A  }
0x85: {  	s31 =	stileid.u32;
	[bflag:$0x2] =	sbarrier.arrive $0xFFFF  }
0x86: {  	p0 =	sne.s32 s31, $0x0;
	s0 =	rddreg [dreg:$0x2]  }
0x87: {  	s0 =	sadd.s32 @!p0 $0x100000, s0  }
0x88: {  	[sflag:s0] =	ssyncadd.tile.s32 @!p0 $0x1;
	_ =	shalt  }
.Lfunc_end1:
_tile_overlayer_lowered:
.L_overlay_start_2:
0x89: {  	(tag) =	ssettag $0x2  }
0x8a: {  	s0 =	rddreg [dreg:$0x0];
	s2 =	stileid.u32  }
0x8b: {  	s1 =	rddreg [dreg:$0x1];
	p0 =	sne.s32 s2, $0x0  }
0x8c: {  	s3 =	rddreg [dreg:$0x2];
	[bflag:$0x3] =	sbarrier.arrive $0xFFFF;
	s2 =	simm.s32 @!p0 $0x1C01  }
0x8d: {  	[timem:s3], [sflag:s2] =	dma.local @!p0 [hbm:s0], s1  }
0x8e: {  	s0 =	simm.s32 @!p0 $0x1  }
0x8f: {  	_ =	swait.ge @!p0 [sflag:s0], s1  }
0x90: {  	s1 =	ssub.s32 @!p0 $0x0, s1;
	[sflag:s0] =	ssyncset.done @!p0 $0x0  }
0x91: {  	[sflag:s0] =	ssyncadd.s32 @!p0 s1  }
0x92: {  	[bflag:$0x3] =	sbarrier.arrive $0xFFFF  }
0x93: {  	_ =	shalt  }

</sc_bundles>
